<compile_context>
chip_gen: v7x
topology: tpu7x:2x2x1
jax: 0.10.2.dev20260603
libtpu: 0.0.44.dev20260713+nightly
codegen_flags: <defaults>
</compile_context>

<pallas_src>
import functools
import jax
import jax.numpy as jnp
from jax import lax
from jax.experimental import pallas as pl
from jax.experimental.pallas import tpu as pltpu
from jax.experimental.pallas import tpu_sc as plsc

_B, _D, _H, _W, _K = 16, 64, 24, 24, 1024
_HW = _H * _W
_N = _B * _HW


def _tree_argmin(v):
    k = v.shape[0]
    rel = None
    while k > 1:
        h = k // 2
        vlo, vhi = v[:h], v[h:]
        take = vhi < vlo
        v = jnp.where(take, vhi, vlo)
        if rel is None:
            rel = jnp.where(take, jnp.int32(h), jnp.int32(0))
        else:
            rel = jnp.where(take, rel[h:] + jnp.int32(h), rel[:h])
        k = h
    return rel


_G = 8


def _idx_kernel(x_ref, w_ref, idx_ref):
    w = w_ref[...]
    w_sq = jnp.sum(w * w, axis=0, keepdims=True).reshape(_K, 1)
    w_sq_m = jnp.broadcast_to(w_sq, (_K, _HW))
    for g in range(_G):
        x = x_ref[g]
        scores = jax.lax.dot_general(
            w, x, (((0,), (0,)), ((), ())),
            preferred_element_type=jnp.float32)
        d2 = w_sq_m - 2.0 * scores
        idx = _tree_argmin(d2)
        idx_ref[g, 0] = idx[0]


_NW = 32
_BPW = _N // _NW


@functools.partial(
    pl.kernel,
    mesh=plsc.VectorSubcoreMesh(core_axis_name="c", subcore_axis_name="s"),
    out_type=jax.ShapeDtypeStruct((_N, 128), jnp.float32),
    scratch_types=[
        pltpu.VMEM((_BPW,), jnp.int32),
        pltpu.VMEM((_BPW, 128), jnp.float32),
        pltpu.SemaphoreType.DMA,
    ],
)
def _sc_gather(table_hbm, idx_hbm, out_hbm, idx_v, rows_v, sem):
    wid = lax.axis_index("s") * 2 + lax.axis_index("c")
    base = wid * _BPW
    pltpu.sync_copy(idx_hbm.at[pl.ds(base, _BPW)], idx_v)
    pltpu.async_copy(table_hbm.at[idx_v], rows_v, sem).wait()
    pltpu.sync_copy(rows_v, out_hbm.at[pl.ds(base, _BPW)])


def kernel(x, weight):
    x3 = x.reshape(_B, _D, _HW)
    idx = pl.pallas_call(
        _idx_kernel,
        grid=(_B // _G,),
        in_specs=[
            pl.BlockSpec((_G, _D, _HW), lambda b: (b, 0, 0)),
            pl.BlockSpec((_D, _K), lambda b: (0, 0)),
        ],
        out_specs=pl.BlockSpec((_G, 1, _HW), lambda b: (b, 0, 0)),
        out_shape=jax.ShapeDtypeStruct((_B, 1, _HW), jnp.int32),
    )(x3, weight)
    table = jnp.pad(weight.T, ((0, 0), (0, 128 - _D)))
    rows = _sc_gather(table, idx.reshape(_N))
    result = rows[:, :_D].reshape(_B, _H, _W, _D).transpose(0, 3, 1, 2)
    return result, idx.reshape(_B, _H, _W)

# --- scband reference (transcript-rebuilt; emitter-appended) ---
"""Pipeline reference for scband-nearest-embed-6390911336467 (READ-ONLY COPY).

The authoritative reference and input builder live on the scoring server;
editing this copy changes nothing except your own understanding.
"""

import jax, jax.numpy as jnp
import numpy as np

B, D, H, W, K = 16, 64, 24, 24, 1024


def setup_inputs(seed: int = 0) -> dict:
    key = jax.random.key(seed)
    k1, k2 = jax.random.split(key)
    x = jax.random.normal(k1, (B, D, H, W), dtype=jnp.float32)
    # nn.Parameter(torch.rand(embeddings_dim, num_embeddings)) -> uniform [0,1)
    weight = jax.random.uniform(k2, (D, K), dtype=jnp.float32)
    return {"x": x, "weight": weight}


def reference(x, weight):
    # Faithful to NearestEmbedFunc.forward with hyperbolic=False, bounded_measure=False:
    # dist = ||x_expanded - emb_expanded||_2 over the embedding dim, argmin over codes,
    # then gather codebook rows and permute back to (B, D, H, W).
    # Distances computed via the expanded quadratic form to avoid materializing
    # the (B, D, H, W, K) broadcast tensor; mathematically identical.
    x_tok = jnp.transpose(x, (0, 2, 3, 1)).reshape(-1, D)  # (N, D), N = B*H*W
    x_sq = jnp.sum(x_tok ** 2, axis=1, keepdims=True)       # (N, 1)
    w_sq = jnp.sum(weight ** 2, axis=0)[None, :]            # (1, K)
    d2 = x_sq + w_sq - 2.0 * (x_tok @ weight)               # (N, K)
    dist = jnp.sqrt(jnp.maximum(d2, 0.0))
    argmin_flat = jnp.argmin(dist, axis=-1)                 # (N,)
    # result = emb.t().index_select(0, argmin).view(B,H,W,D).permute(0,3,1,2)
    gathered = jnp.take(weight.T, argmin_flat, axis=0)      # (N, D)
    result = gathered.reshape(B, H, W, D).transpose(0, 3, 1, 2)
    argmin = argmin_flat.reshape(B, H, W)
    return result, argmin

if __name__ == "__main__":
    import jax
    _d = setup_inputs()
    print(jax.jit(kernel)(*tuple(_d.values())))

</pallas_src>

<mosaic_0001>
#map = affine_map<(d0, d1) -> (0, 0)>
#map1 = affine_map<(d0, d1) -> (0)>
module attributes {stable_mosaic.version = 14 : i64} {
  func.func @_sc_gather(%arg0: i32, %arg1: i32, %arg2: memref<1024x128xf32, #tpu.memory_space<hbm>>, %arg3: memref<9216xi32, #tpu.memory_space<hbm>>, %arg4: memref<9216x128xf32, #tpu.memory_space<hbm>>, %arg5: memref<288xi32, #tpu.memory_space<vmem>>, %arg6: memref<288x128xf32, #tpu.memory_space<vmem>>, %arg7: memref<!tpu.dma_semaphore, #tpu.memory_space<semaphore_mem>>) attributes {dimension_semantics = [#tpu.dimension_semantics<core_parallel>, #tpu.dimension_semantics<subcore_parallel>], iteration_bounds = array<i64: 2, 16>, scalar_prefetch = 0 : i64, scratch_operands = 3 : i64, tpu.core_type = #tpu.core_type<sc_vector_subcore>, window_params = [{transform_indices = #map}, {transform_indices = #map1}, {transform_indices = #map}]} {
    %mul3A = arith.constant 2 : i32
    %mul3A_0 = arith.muli %arg1, %mul3A : i32
    %add3A = arith.addi %mul3A_0, %arg0 : i32
    %mul3A_1 = arith.constant 288 : i32
    %mul3A_2 = arith.muli %add3A, %mul3A_1 : i32
    "tpu.region"() ({
      %run_scoped3A = tpu.sem_alloc : memref<!tpu.dma_semaphore, #tpu.memory_space<semaphore_mem>>
      %dma_start3A_7 = tpu.memref_slice %arg3[%mul3A_2] : memref<9216xi32, #tpu.memory_space<hbm>> -> memref<288xi32, #tpu.memory_space<hbm>>
      %dma_start3A_8 = tpu.memref_slice %arg3[%mul3A_2] : memref<9216xi32, #tpu.memory_space<hbm>> -> memref<288xi32, #tpu.memory_space<hbm>>
      tpu.enqueue_dma source(%dma_start3A_8 : memref<288xi32, #tpu.memory_space<hbm>>) target(%arg5 : memref<288xi32, #tpu.memory_space<vmem>>) target_semaphore(%run_scoped3A : memref<!tpu.dma_semaphore, #tpu.memory_space<semaphore_mem>>)
      %dma_wait3A_9 = tpu.memref_slice %arg3[%mul3A_2] : memref<9216xi32, #tpu.memory_space<hbm>> -> memref<288xi32, #tpu.memory_space<hbm>>
      %dma_wait3A_10 = tpu.memref_slice %arg3[%mul3A_2] : memref<9216xi32, #tpu.memory_space<hbm>> -> memref<288xi32, #tpu.memory_space<hbm>>
      tpu.wait_dma2 semaphore(%run_scoped3A : memref<!tpu.dma_semaphore, #tpu.memory_space<semaphore_mem>>) src(%dma_wait3A_10 : memref<288xi32, #tpu.memory_space<hbm>>) dst(%arg5 : memref<288xi32, #tpu.memory_space<vmem>>)
      tpu.yield
    }) : () -> ()
    %dma_start3A = arith.constant 0 : i32
    %dma_start3A_3 = arith.constant 0 : i32
    %dma_start3A_4 = tpu.memref_slice %arg2[%dma_start3A, %dma_start3A_3] : memref<1024x128xf32, #tpu.memory_space<hbm>> -> memref<1024x128xf32, #tpu.memory_space<hbm>>
    tpu.enqueue_indirect_dma source(%dma_start3A_4 : memref<1024x128xf32, #tpu.memory_space<hbm>>) target(%arg6 : memref<288x128xf32, #tpu.memory_space<vmem>>) offsets(%arg5 : memref<288xi32, #tpu.memory_space<vmem>>) semaphore(%arg7 : memref<!tpu.dma_semaphore, #tpu.memory_space<semaphore_mem>>)
    %dma_wait3A = arith.constant 0 : i32
    %dma_wait3A_5 = arith.constant 0 : i32
    %dma_wait3A_6 = tpu.memref_slice %arg2[%dma_wait3A, %dma_wait3A_5] : memref<1024x128xf32, #tpu.memory_space<hbm>> -> memref<1024x128xf32, #tpu.memory_space<hbm>>
    tpu.wait_indirect_dma semaphore(%arg7 : memref<!tpu.dma_semaphore, #tpu.memory_space<semaphore_mem>>) src(%dma_wait3A_6 : memref<1024x128xf32, #tpu.memory_space<hbm>>) dst(%arg6 : memref<288x128xf32, #tpu.memory_space<vmem>>)
    "tpu.region"() ({
      %run_scoped3A = tpu.sem_alloc : memref<!tpu.dma_semaphore, #tpu.memory_space<semaphore_mem>>
      %dma_start3A_7 = arith.constant 0 : i32
      %dma_start3A_8 = tpu.memref_slice %arg4[%mul3A_2, %dma_start3A_7] : memref<9216x128xf32, #tpu.memory_space<hbm>> -> memref<288x128xf32, #tpu.memory_space<hbm>>
      %dma_start3A_9 = arith.constant 0 : i32
      %dma_start3A_10 = tpu.memref_slice %arg4[%mul3A_2, %dma_start3A_9] : memref<9216x128xf32, #tpu.memory_space<hbm>> -> memref<288x128xf32, #tpu.memory_space<hbm>>
      tpu.enqueue_dma source(%arg6 : memref<288x128xf32, #tpu.memory_space<vmem>>) target(%dma_start3A_10 : memref<288x128xf32, #tpu.memory_space<hbm>>) target_semaphore(%run_scoped3A : memref<!tpu.dma_semaphore, #tpu.memory_space<semaphore_mem>>)
      %dma_wait3A_11 = arith.constant 0 : i32
      %dma_wait3A_12 = tpu.memref_slice %arg4[%mul3A_2, %dma_wait3A_11] : memref<9216x128xf32, #tpu.memory_space<hbm>> -> memref<288x128xf32, #tpu.memory_space<hbm>>
      %dma_wait3A_13 = arith.constant 0 : i32
      %dma_wait3A_14 = tpu.memref_slice %arg4[%mul3A_2, %dma_wait3A_13] : memref<9216x128xf32, #tpu.memory_space<hbm>> -> memref<288x128xf32, #tpu.memory_space<hbm>>
      tpu.wait_dma2 semaphore(%run_scoped3A : memref<!tpu.dma_semaphore, #tpu.memory_space<semaphore_mem>>) src(%arg6 : memref<288x128xf32, #tpu.memory_space<vmem>>) dst(%dma_wait3A_14 : memref<288x128xf32, #tpu.memory_space<hbm>>)
      tpu.yield
    }) : () -> ()
    return
  }
}

module attributes {stable_mosaic.version = 14 : i64} {
  func.func @_idx_kernel(%arg0: i32, %arg1: memref<8x64x576xf32, #tpu.memory_space<vmem>>, %arg2: memref<64x1024xf32, #tpu.memory_space<vmem>>, %arg3: memref<8x1x576xi32, #tpu.memory_space<vmem>>) attributes {dimension_semantics = [#tpu.dimension_semantics<arbitrary>], iteration_bounds = array<i64: 2>, scalar_prefetch = 0 : i64, scratch_operands = 0 : i64, tpu.core_type = #tpu.core_type<tc>, window_params = [{transform_indices = @transform_0, window_bounds = array<i64: 8, 64, 576>}, {pipeline_mode = #tpu.pipeline_mode<synchronous>, transform_indices = @transform_1, window_bounds = array<i64: 64, 1024>}, {transform_indices = @transform_2, window_bounds = array<i64: 8, 1, 576>}]} {
    %get3A = arith.constant 0 : index
    %get3A_0 = arith.constant 0 : index
    %get3A_1 = vector.load %arg2[%get3A, %get3A_0] : memref<64x1024xf32, #tpu.memory_space<vmem>>, vector<64x1024xf32>
    %mul3A = arith.mulf %get3A_1, %get3A_1 : vector<64x1024xf32>
    %reduce_sum3A = arith.constant dense<0.000000e+00> : vector<1024xf32>
    %reduce_sum3A_2 = vector.multi_reduction <add>, %mul3A, %reduce_sum3A [0] : vector<64x1024xf32> to vector<1024xf32>
    %broadcast_in_dim3A = vector.shape_cast %reduce_sum3A_2 : vector<1024xf32> to vector<1x1024xf32>
    %reshape3A = vector.shape_cast %broadcast_in_dim3A : vector<1x1024xf32> to vector<1024x1xf32>
    %broadcast_in_dim3A_3 = vector.shape_cast %reshape3A : vector<1024x1xf32> to vector<1024x1xf32>
    %broadcast_in_dim3A_4 = vector.broadcast %broadcast_in_dim3A_3 : vector<1024x1xf32> to vector<1024x576xf32>
    %get3A_5 = arith.constant 0 : index
    %get3A_6 = arith.constant 0 : index
    %get3A_7 = arith.constant 0 : index
    %get3A_8 = vector.load %arg1[%get3A_5, %get3A_6, %get3A_7] : memref<8x64x576xf32, #tpu.memory_space<vmem>>, vector<1x64x576xf32>
    %get3A_9 = vector.shape_cast %get3A_8 : vector<1x64x576xf32> to vector<64x576xf32>
    %dot_general3A = arith.constant dense<0.000000e+00> : vector<1024x576xf32>
    %dot_general3A_10 = tpu.matmul %get3A_1, %get3A_9, %dot_general3A {dimension_numbers = #tpu.dot_dimension_numbers<[0], [0], [1], [1], [0, 1, 1, 1], [], []>, transpose_lhs_hint = false} : vector<64x1024xf32>, vector<64x576xf32>, vector<1024x576xf32> -> vector<1024x576xf32>
    %mul3A_11 = arith.constant 2.000000e+00 : f32
    %mul3A_12 = vector.broadcast %mul3A_11 : f32 to vector<1024x576xf32>
    %mul3A_13 = arith.mulf %mul3A_12, %dot_general3A_10 : vector<1024x576xf32>
    %sub3A = arith.subf %broadcast_in_dim3A_4, %mul3A_13 : vector<1024x576xf32>
    %slice3A = vector.extract_strided_slice %sub3A {offsets = [0, 0], sizes = [512, 576], strides = [1, 1]} : vector<1024x576xf32> to vector<512x576xf32>
    %slice3A_14 = vector.extract_strided_slice %sub3A {offsets = [512, 0], sizes = [512, 576], strides = [1, 1]} : vector<1024x576xf32> to vector<512x576xf32>
    %lt3A = arith.cmpf olt, %slice3A_14, %slice3A : vector<512x576xf32>
    %select_n3A = arith.select %lt3A, %slice3A_14, %slice3A : vector<512x576xi1>, vector<512x576xf32>
    %jit3A = arith.constant 512 : i32
    %jit3A_15 = arith.constant 0 : i32
    %broadcast_in_dim3A_16 = vector.broadcast %jit3A : i32 to vector<512x576xi32>
    %broadcast_in_dim3A_17 = vector.broadcast %jit3A_15 : i32 to vector<512x576xi32>
    %select_n3A_18 = arith.select %lt3A, %broadcast_in_dim3A_16, %broadcast_in_dim3A_17 : vector<512x576xi1>, vector<512x576xi32>
    %slice3A_19 = vector.extract_strided_slice %select_n3A {offsets = [0, 0], sizes = [256, 576], strides = [1, 1]} : vector<512x576xf32> to vector<256x576xf32>
    %slice3A_20 = vector.extract_strided_slice %select_n3A {offsets = [256, 0], sizes = [256, 576], strides = [1, 1]} : vector<512x576xf32> to vector<256x576xf32>
    %lt3A_21 = arith.cmpf olt, %slice3A_20, %slice3A_19 : vector<256x576xf32>
    %select_n3A_22 = arith.select %lt3A_21, %slice3A_20, %slice3A_19 : vector<256x576xi1>, vector<256x576xf32>
    %slice3A_23 = vector.extract_strided_slice %select_n3A_18 {offsets = [256, 0], sizes = [256, 576], strides = [1, 1]} : vector<512x576xi32> to vector<256x576xi32>
    %add3A = arith.constant 256 : i32
    %add3A_24 = vector.broadcast %add3A : i32 to vector<256x576xi32>
    %add3A_25 = arith.addi %slice3A_23, %add3A_24 : vector<256x576xi32>
    %slice3A_26 = vector.extract_strided_slice %select_n3A_18 {offsets = [0, 0], sizes = [256, 576], strides = [1, 1]} : vector<512x576xi32> to vector<256x576xi32>
    %select_n3A_27 = arith.select %lt3A_21, %add3A_25, %slice3A_26 : vector<256x576xi1>, vector<256x576xi32>
    %slice3A_28 = vector.extract_strided_slice %select_n3A_22 {offsets = [0, 0], sizes = [128, 576], strides = [1, 1]} : vector<256x576xf32> to vector<128x576xf32>
    %slice3A_29 = vector.extract_strided_slice %select_n3A_22 {offsets = [128, 0], sizes = [128, 576], strides = [1, 1]} : vector<256x576xf32> to vector<128x576xf32>
    %lt3A_30 = arith.cmpf olt, %slice3A_29, %slice3A_28 : vector<128x576xf32>
    %select_n3A_31 = arith.select %lt3A_30, %slice3A_29, %slice3A_28 : vector<128x576xi1>, vector<128x576xf32>
    %slice3A_32 = vector.extract_strided_slice %select_n3A_27 {offsets = [128, 0], sizes = [128, 576], strides = [1, 1]} : vector<256x576xi32> to vector<128x576xi32>
    %add3A_33 = arith.constant 128 : i32
    %add3A_34 = vector.broadcast %add3A_33 : i32 to vector<128x576xi32>
    %add3A_35 = arith.addi %slice3A_32, %add3A_34 : vector<128x576xi32>
    %slice3A_36 = vector.extract_strided_slice %select_n3A_27 {offsets = [0, 0], sizes = [128, 576], strides = [1, 1]} : vector<256x576xi32> to vector<128x576xi32>
    %select_n3A_37 = arith.select %lt3A_30, %add3A_35, %slice3A_36 : vector<128x576xi1>, vector<128x576xi32>
    %slice3A_38 = vector.extract_strided_slice %select_n3A_31 {offsets = [0, 0], sizes = [64, 576], strides = [1, 1]} : vector<128x576xf32> to vector<64x576xf32>
    %slice3A_39 = vector.extract_strided_slice %select_n3A_31 {offsets = [64, 0], sizes = [64, 576], strides = [1, 1]} : vector<128x576xf32> to vector<64x576xf32>
    %lt3A_40 = arith.cmpf olt, %slice3A_39, %slice3A_38 : vector<64x576xf32>
    %select_n3A_41 = arith.select %lt3A_40, %slice3A_39, %slice3A_38 : vector<64x576xi1>, vector<64x576xf32>
    %slice3A_42 = vector.extract_strided_slice %select_n3A_37 {offsets = [64, 0], sizes = [64, 576], strides = [1, 1]} : vector<128x576xi32> to vector<64x576xi32>
    %add3A_43 = arith.constant 64 : i32
    %add3A_44 = vector.broadcast %add3A_43 : i32 to vector<64x576xi32>
    %add3A_45 = arith.addi %slice3A_42, %add3A_44 : vector<64x576xi32>
    %slice3A_46 = vector.extract_strided_slice %select_n3A_37 {offsets = [0, 0], sizes = [64, 576], strides = [1, 1]} : vector<128x576xi32> to vector<64x576xi32>
    %select_n3A_47 = arith.select %lt3A_40, %add3A_45, %slice3A_46 : vector<64x576xi1>, vector<64x576xi32>
    %slice3A_48 = vector.extract_strided_slice %select_n3A_41 {offsets = [0, 0], sizes = [32, 576], strides = [1, 1]} : vector<64x576xf32> to vector<32x576xf32>
    %slice3A_49 = vector.extract_strided_slice %select_n3A_41 {offsets = [32, 0], sizes = [32, 576], strides = [1, 1]} : vector<64x576xf32> to vector<32x576xf32>
    %lt3A_50 = arith.cmpf olt, %slice3A_49, %slice3A_48 : vector<32x576xf32>
    %select_n3A_51 = arith.select %lt3A_50, %slice3A_49, %slice3A_48 : vector<32x576xi1>, vector<32x576xf32>
    %slice3A_52 = vector.extract_strided_slice %select_n3A_47 {offsets = [32, 0], sizes = [32, 576], strides = [1, 1]} : vector<64x576xi32> to vector<32x576xi32>
    %add3A_53 = arith.constant 32 : i32
    %add3A_54 = vector.broadcast %add3A_53 : i32 to vector<32x576xi32>
    %add3A_55 = arith.addi %slice3A_52, %add3A_54 : vector<32x576xi32>
    %slice3A_56 = vector.extract_strided_slice %select_n3A_47 {offsets = [0, 0], sizes = [32, 576], strides = [1, 1]} : vector<64x576xi32> to vector<32x576xi32>
    %select_n3A_57 = arith.select %lt3A_50, %add3A_55, %slice3A_56 : vector<32x576xi1>, vector<32x576xi32>
    %slice3A_58 = vector.extract_strided_slice %select_n3A_51 {offsets = [0, 0], sizes = [16, 576], strides = [1, 1]} : vector<32x576xf32> to vector<16x576xf32>
    %slice3A_59 = vector.extract_strided_slice %select_n3A_51 {offsets = [16, 0], sizes = [16, 576], strides = [1, 1]} : vector<32x576xf32> to vector<16x576xf32>
    %lt3A_60 = arith.cmpf olt, %slice3A_59, %slice3A_58 : vector<16x576xf32>
    %select_n3A_61 = arith.select %lt3A_60, %slice3A_59, %slice3A_58 : vector<16x576xi1>, vector<16x576xf32>
    %slice3A_62 = vector.extract_strided_slice %select_n3A_57 {offsets = [16, 0], sizes = [16, 576], strides = [1, 1]} : vector<32x576xi32> to vector<16x576xi32>
    %add3A_63 = arith.constant 16 : i32
    %add3A_64 = vector.broadcast %add3A_63 : i32 to vector<16x576xi32>
    %add3A_65 = arith.addi %slice3A_62, %add3A_64 : vector<16x576xi32>
    %slice3A_66 = vector.extract_strided_slice %select_n3A_57 {offsets = [0, 0], sizes = [16, 576], strides = [1, 1]} : vector<32x576xi32> to vector<16x576xi32>
    %select_n3A_67 = arith.select %lt3A_60, %add3A_65, %slice3A_66 : vector<16x576xi1>, vector<16x576xi32>
    %slice3A_68 = vector.extract_strided_slice %select_n3A_61 {offsets = [0, 0], sizes = [8, 576], strides = [1, 1]} : vector<16x576xf32> to vector<8x576xf32>
    %slice3A_69 = vector.extract_strided_slice %select_n3A_61 {offsets = [8, 0], sizes = [8, 576], strides = [1, 1]} : vector<16x576xf32> to vector<8x576xf32>
    %lt3A_70 = arith.cmpf olt, %slice3A_69, %slice3A_68 : vector<8x576xf32>
    %select_n3A_71 = arith.select %lt3A_70, %slice3A_69, %slice3A_68 : vector<8x576xi1>, vector<8x576xf32>
    %slice3A_72 = vector.extract_strided_slice %select_n3A_67 {offsets = [8, 0], sizes = [8, 576], strides = [1, 1]} : vector<16x576xi32> to vector<8x576xi32>
    %add3A_73 = arith.constant 8 : i32
    %add3A_74 = vector.broadcast %add3A_73 : i32 to vector<8x576xi32>
    %add3A_75 = arith.addi %slice3A_72, %add3A_74 : vector<8x576xi32>
    %slice3A_76 = vector.extract_strided_slice %select_n3A_67 {offsets = [0, 0], sizes = [8, 576], strides = [1, 1]} : vector<16x576xi32> to vector<8x576xi32>
    %select_n3A_77 = arith.select %lt3A_70, %add3A_75, %slice3A_76 : vector<8x576xi1>, vector<8x576xi32>
    %slice3A_78 = vector.extract_strided_slice %select_n3A_71 {offsets = [0, 0], sizes = [4, 576], strides = [1, 1]} : vector<8x576xf32> to vector<4x576xf32>
    %slice3A_79 = vector.extract_strided_slice %select_n3A_71 {offsets = [4, 0], sizes = [4, 576], strides = [1, 1]} : vector<8x576xf32> to vector<4x576xf32>
    %lt3A_80 = arith.cmpf olt, %slice3A_79, %slice3A_78 : vector<4x576xf32>
    %select_n3A_81 = arith.select %lt3A_80, %slice3A_79, %slice3A_78 : vector<4x576xi1>, vector<4x576xf32>
    %slice3A_82 = vector.extract_strided_slice %select_n3A_77 {offsets = [4, 0], sizes = [4, 576], strides = [1, 1]} : vector<8x576xi32> to vector<4x576xi32>
    %add3A_83 = arith.constant 4 : i32
    %add3A_84 = vector.broadcast %add3A_83 : i32 to vector<4x576xi32>
    %add3A_85 = arith.addi %slice3A_82, %add3A_84 : vector<4x576xi32>
    %slice3A_86 = vector.extract_strided_slice %select_n3A_77 {offsets = [0, 0], sizes = [4, 576], strides = [1, 1]} : vector<8x576xi32> to vector<4x576xi32>
    %select_n3A_87 = arith.select %lt3A_80, %add3A_85, %slice3A_86 : vector<4x576xi1>, vector<4x576xi32>
    %slice3A_88 = vector.extract_strided_slice %select_n3A_81 {offsets = [0, 0], sizes = [2, 576], strides = [1, 1]} : vector<4x576xf32> to vector<2x576xf32>
    %slice3A_89 = vector.extract_strided_slice %select_n3A_81 {offsets = [2, 0], sizes = [2, 576], strides = [1, 1]} : vector<4x576xf32> to vector<2x576xf32>
    %lt3A_90 = arith.cmpf olt, %slice3A_89, %slice3A_88 : vector<2x576xf32>
    %select_n3A_91 = arith.select %lt3A_90, %slice3A_89, %slice3A_88 : vector<2x576xi1>, vector<2x576xf32>
    %slice3A_92 = vector.extract_strided_slice %select_n3A_87 {offsets = [2, 0], sizes = [2, 576], strides = [1, 1]} : vector<4x576xi32> to vector<2x576xi32>
    %add3A_93 = arith.constant 2 : i32
    %add3A_94 = vector.broadcast %add3A_93 : i32 to vector<2x576xi32>
    %add3A_95 = arith.addi %slice3A_92, %add3A_94 : vector<2x576xi32>
    %slice3A_96 = vector.extract_strided_slice %select_n3A_87 {offsets = [0, 0], sizes = [2, 576], strides = [1, 1]} : vector<4x576xi32> to vector<2x576xi32>
    %select_n3A_97 = arith.select %lt3A_90, %add3A_95, %slice3A_96 : vector<2x576xi1>, vector<2x576xi32>
    %slice3A_98 = vector.extract_strided_slice %select_n3A_91 {offsets = [0, 0], sizes = [1, 576], strides = [1, 1]} : vector<2x576xf32> to vector<1x576xf32>
    %slice3A_99 = vector.extract_strided_slice %select_n3A_91 {offsets = [1, 0], sizes = [1, 576], strides = [1, 1]} : vector<2x576xf32> to vector<1x576xf32>
    %lt3A_100 = arith.cmpf olt, %slice3A_99, %slice3A_98 : vector<1x576xf32>
    %slice3A_101 = vector.extract_strided_slice %select_n3A_97 {offsets = [1, 0], sizes = [1, 576], strides = [1, 1]} : vector<2x576xi32> to vector<1x576xi32>
    %add3A_102 = arith.constant 1 : i32
    %add3A_103 = vector.broadcast %add3A_102 : i32 to vector<1x576xi32>
    %add3A_104 = arith.addi %slice3A_101, %add3A_103 : vector<1x576xi32>
    %slice3A_105 = vector.extract_strided_slice %select_n3A_97 {offsets = [0, 0], sizes = [1, 576], strides = [1, 1]} : vector<2x576xi32> to vector<1x576xi32>
    %select_n3A_106 = arith.select %lt3A_100, %add3A_104, %slice3A_105 : vector<1x576xi1>, vector<1x576xi32>
    %squeeze3A = vector.shape_cast %select_n3A_106 : vector<1x576xi32> to vector<576xi32>
    %swap3A = arith.constant 0 : index
    %swap3A_107 = arith.constant 0 : index
    %swap3A_108 = arith.constant 0 : index
    %swap3A_109 = vector.load %arg3[%swap3A, %swap3A_107, %swap3A_108] : memref<8x1x576xi32, #tpu.memory_space<vmem>>, vector<1x1x576xi32>
    %swap3A_110 = vector.shape_cast %swap3A_109 : vector<1x1x576xi32> to vector<576xi32>
    %swap3A_111 = vector.shape_cast %squeeze3A : vector<576xi32> to vector<1x1x576xi32>
    tpu.vector_store %arg3[%swap3A, %swap3A_107, %swap3A_108], %swap3A_111 {strides = array<i32>} : memref<8x1x576xi32, #tpu.memory_space<vmem>>, vector<1x1x576xi32>,
    %get3A_112 = arith.constant 1 : index
    %get3A_113 = arith.constant 0 : index
    %get3A_114 = arith.constant 0 : index
    %get3A_115 = vector.load %arg1[%get3A_112, %get3A_113, %get3A_114] : memref<8x64x576xf32, #tpu.memory_space<vmem>>, vector<1x64x576xf32>
    %get3A_116 = vector.shape_cast %get3A_115 : vector<1x64x576xf32> to vector<64x576xf32>
    %dot_general3A_117 = arith.constant dense<0.000000e+00> : vector<1024x576xf32>
    %dot_general3A_118 = tpu.matmul %get3A_1, %get3A_116, %dot_general3A_117 {dimension_numbers = #tpu.dot_dimension_numbers<[0], [0], [1], [1], [0, 1, 1, 1], [], []>, transpose_lhs_hint = false} : vector<64x1024xf32>, vector<64x576xf32>, vector<1024x576xf32> -> vector<1024x576xf32>
    %mul3A_119 = arith.constant 2.000000e+00 : f32
    %mul3A_120 = vector.broadcast %mul3A_119 : f32 to vector<1024x576xf32>
    %mul3A_121 = arith.mulf %mul3A_120, %dot_general3A_118 : vector<1024x576xf32>
    %sub3A_122 = arith.subf %broadcast_in_dim3A_4, %mul3A_121 : vector<1024x576xf32>
    %slice3A_123 = vector.extract_strided_slice %sub3A_122 {offsets = [0, 0], sizes = [512, 576], strides = [1, 1]} : vector<1024x576xf32> to vector<512x576xf32>
    %slice3A_124 = vector.extract_strided_slice %sub3A_122 {offsets = [512, 0], sizes = [512, 576], strides = [1, 1]} : vector<1024x576xf32> to vector<512x576xf32>
    %lt3A_125 = arith.cmpf olt, %slice3A_124, %slice3A_123 : vector<512x576xf32>
    %select_n3A_126 = arith.select %lt3A_125, %slice3A_124, %slice3A_123 : vector<512x576xi1>, vector<512x576xf32>
    %jit3A_127 = arith.constant 512 : i32
    %jit3A_128 = arith.constant 0 : i32
    %broadcast_in_dim3A_129 = vector.broadcast %jit3A_127 : i32 to vector<512x576xi32>
    %broadcast_in_dim3A_130 = vector.broadcast %jit3A_128 : i32 to vector<512x576xi32>
    %select_n3A_131 = arith.select %lt3A_125, %broadcast_in_dim3A_129, %broadcast_in_dim3A_130 : vector<512x576xi1>, vector<512x576xi32>
    %slice3A_132 = vector.extract_strided_slice %select_n3A_126 {offsets = [0, 0], sizes = [256, 576], strides = [1, 1]} : vector<512x576xf32> to vector<256x576xf32>
    %slice3A_133 = vector.extract_strided_slice %select_n3A_126 {offsets = [256, 0], sizes = [256, 576], strides = [1, 1]} : vector<512x576xf32> to vector<256x576xf32>
    %lt3A_134 = arith.cmpf olt, %slice3A_133, %slice3A_132 : vector<256x576xf32>
    %select_n3A_135 = arith.select %lt3A_134, %slice3A_133, %slice3A_132 : vector<256x576xi1>, vector<256x576xf32>
    %slice3A_136 = vector.extract_strided_slice %select_n3A_131 {offsets = [256, 0], sizes = [256, 576], strides = [1, 1]} : vector<512x576xi32> to vector<256x576xi32>
    %add3A_137 = arith.constant 256 : i32
    %add3A_138 = vector.broadcast %add3A_137 : i32 to vector<256x576xi32>
    %add3A_139 = arith.addi %slice3A_136, %add3A_138 : vector<256x576xi32>
    %slice3A_140 = vector.extract_strided_slice %select_n3A_131 {offsets = [0, 0], sizes = [256, 576], strides = [1, 1]} : vector<512x576xi32> to vector<256x576xi32>
    %select_n3A_141 = arith.select %lt3A_134, %add3A_139, %slice3A_140 : vector<256x576xi1>, vector<256x576xi32>
    %slice3A_142 = vector.extract_strided_slice %select_n3A_135 {offsets = [0, 0], sizes = [128, 576], strides = [1, 1]} : vector<256x576xf32> to vector<128x576xf32>
    %slice3A_143 = vector.extract_strided_slice %select_n3A_135 {offsets = [128, 0], sizes = [128, 576], strides = [1, 1]} : vector<256x576xf32> to vector<128x576xf32>
    %lt3A_144 = arith.cmpf olt, %slice3A_143, %slice3A_142 : vector<128x576xf32>
    %select_n3A_145 = arith.select %lt3A_144, %slice3A_143, %slice3A_142 : vector<128x576xi1>, vector<128x576xf32>
    %slice3A_146 = vector.extract_strided_slice %select_n3A_141 {offsets = [128, 0], sizes = [128, 576], strides = [1, 1]} : vector<256x576xi32> to vector<128x576xi32>
    %add3A_147 = arith.constant 128 : i32
    %add3A_148 = vector.broadcast %add3A_147 : i32 to vector<128x576xi32>
    %add3A_149 = arith.addi %slice3A_146, %add3A_148 : vector<128x576xi32>
    %slice3A_150 = vector.extract_strided_slice %select_n3A_141 {offsets = [0, 0], sizes = [128, 576], strides = [1, 1]} : vector<256x576xi32> to vector<128x576xi32>
    %select_n3A_151 = arith.select %lt3A_144, %add3A_149, %slice3A_150 : vector<128x576xi1>, vector<128x576xi32>
    %slice3A_152 = vector.extract_strided_slice %select_n3A_145 {offsets = [0, 0], sizes = [64, 576], strides = [1, 1]} : vector<128x576xf32> to vector<64x576xf32>
    %slice3A_153 = vector.extract_strided_slice %select_n3A_145 {offsets = [64, 0], sizes = [64, 576], strides = [1, 1]} : vector<128x576xf32> to vector<64x576xf32>
    %lt3A_154 = arith.cmpf olt, %slice3A_153, %slice3A_152 : vector<64x576xf32>
    %select_n3A_155 = arith.select %lt3A_154, %slice3A_153, %slice3A_152 : vector<64x576xi1>, vector<64x576xf32>
    %slice3A_156 = vector.extract_strided_slice %select_n3A_151 {offsets = [64, 0], sizes = [64, 576], strides = [1, 1]} : vector<128x576xi32> to vector<64x576xi32>
    %add3A_157 = arith.constant 64 : i32
    %add3A_158 = vector.broadcast %add3A_157 : i32 to vector<64x576xi32>
    %add3A_159 = arith.addi %slice3A_156, %add3A_158 : vector<64x576xi32>
    %slice3A_160 = vector.extract_strided_slice %select_n3A_151 {offsets = [0, 0], sizes = [64, 576], strides = [1, 1]} : vector<128x576xi32> to vector<64x576xi32>
    %select_n3A_161 = arith.select %lt3A_154, %add3A_159, %slice3A_160 : vector<64x576xi1>, vector<64x576xi32>
    %slice3A_162 = vector.extract_strided_slice %select_n3A_155 {offsets = [0, 0], sizes = [32, 576], strides = [1, 1]} : vector<64x576xf32> to vector<32x576xf32>
    %slice3A_163 = vector.extract_strided_slice %select_n3A_155 {offsets = [32, 0], sizes = [32, 576], strides = [1, 1]} : vector<64x576xf32> to vector<32x576xf32>
    %lt3A_164 = arith.cmpf olt, %slice3A_163, %slice3A_162 : vector<32x576xf32>
    %select_n3A_165 = arith.select %lt3A_164, %slice3A_163, %slice3A_162 : vector<32x576xi1>, vector<32x576xf32>
    %slice3A_166 = vector.extract_strided_slice %select_n3A_161 {offsets = [32, 0], sizes = [32, 576], strides = [1, 1]} : vector<64x576xi32> to vector<32x576xi32>
    %add3A_167 = arith.constant 32 : i32
    %add3A_168 = vector.broadcast %add3A_167 : i32 to vector<32x576xi32>
    %add3A_169 = arith.addi %slice3A_166, %add3A_168 : vector<32x576xi32>
    %slice3A_170 = vector.extract_strided_slice %select_n3A_161 {offsets = [0, 0], sizes = [32, 576], strides = [1, 1]} : vector<64x576xi32> to vector<32x576xi32>
    %select_n3A_171 = arith.select %lt3A_164, %add3A_169, %slice3A_170 : vector<32x576xi1>, vector<32x576xi32>
    %slice3A_172 = vector.extract_strided_slice %select_n3A_165 {offsets = [0, 0], sizes = [16, 576], strides = [1, 1]} : vector<32x576xf32> to vector<16x576xf32>
    %slice3A_173 = vector.extract_strided_slice %select_n3A_165 {offsets = [16, 0], sizes = [16, 576], strides = [1, 1]} : vector<32x576xf32> to vector<16x576xf32>
    %lt3A_174 = arith.cmpf olt, %slice3A_173, %slice3A_172 : vector<16x576xf32>
    %select_n3A_175 = arith.select %lt3A_174, %slice3A_173, %slice3A_172 : vector<16x576xi1>, vector<16x576xf32>
    %slice3A_176 = vector.extract_strided_slice %select_n3A_171 {offsets = [16, 0], sizes = [16, 576], strides = [1, 1]} : vector<32x576xi32> to vector<16x576xi32>
    %add3A_177 = arith.constant 16 : i32
    %add3A_178 = vector.broadcast %add3A_177 : i32 to vector<16x576xi32>
    %add3A_179 = arith.addi %slice3A_176, %add3A_178 : vector<16x576xi32>
    %slice3A_180 = vector.extract_strided_slice %select_n3A_171 {offsets = [0, 0], sizes = [16, 576], strides = [1, 1]} : vector<32x576xi32> to vector<16x576xi32>
    %select_n3A_181 = arith.select %lt3A_174, %add3A_179, %slice3A_180 : vector<16x576xi1>, vector<16x576xi32>
    %slice3A_182 = vector.extract_strided_slice %select_n3A_175 {offsets = [0, 0], sizes = [8, 576], strides = [1, 1]} : vector<16x576xf32> to vector<8x576xf32>
    %slice3A_183 = vector.extract_strided_slice %select_n3A_175 {offsets = [8, 0], sizes = [8, 576], strides = [1, 1]} : vector<16x576xf32> to vector<8x576xf32>
    %lt3A_184 = arith.cmpf olt, %slice3A_183, %slice3A_182 : vector<8x576xf32>
    %select_n3A_185 = arith.select %lt3A_184, %slice3A_183, %slice3A_182 : vector<8x576xi1>, vector<8x576xf32>
    %slice3A_186 = vector.extract_strided_slice %select_n3A_181 {offsets = [8, 0], sizes = [8, 576], strides = [1, 1]} : vector<16x576xi32> to vector<8x576xi32>
    %add3A_187 = arith.constant 8 : i32
    %add3A_188 = vector.broadcast %add3A_187 : i32 to vector<8x576xi32>
    %add3A_189 = arith.addi %slice3A_186, %add3A_188 : vector<8x576xi32>
    %slice3A_190 = vector.extract_strided_slice %select_n3A_181 {offsets = [0, 0], sizes = [8, 576], strides = [1, 1]} : vector<16x576xi32> to vector<8x576xi32>
    %select_n3A_191 = arith.select %lt3A_184, %add3A_189, %slice3A_190 : vector<8x576xi1>, vector<8x576xi32>
    %slice3A_192 = vector.extract_strided_slice %select_n3A_185 {offsets = [0, 0], sizes = [4, 576], strides = [1, 1]} : vector<8x576xf32> to vector<4x576xf32>
    %slice3A_193 = vector.extract_strided_slice %select_n3A_185 {offsets = [4, 0], sizes = [4, 576], strides = [1, 1]} : vector<8x576xf32> to vector<4x576xf32>
    %lt3A_194 = arith.cmpf olt, %slice3A_193, %slice3A_192 : vector<4x576xf32>
    %select_n3A_195 = arith.select %lt3A_194, %slice3A_193, %slice3A_192 : vector<4x576xi1>, vector<4x576xf32>
    %slice3A_196 = vector.extract_strided_slice %select_n3A_191 {offsets = [4, 0], sizes = [4, 576], strides = [1, 1]} : vector<8x576xi32> to vector<4x576xi32>
    %add3A_197 = arith.constant 4 : i32
    %add3A_198 = vector.broadcast %add3A_197 : i32 to vector<4x576xi32>
    %add3A_199 = arith.addi %slice3A_196, %add3A_198 : vector<4x576xi32>
    %slice3A_200 = vector.extract_strided_slice %select_n3A_191 {offsets = [0, 0], sizes = [4, 576], strides = [1, 1]} : vector<8x576xi32> to vector<4x576xi32>
    %select_n3A_201 = arith.select %lt3A_194, %add3A_199, %slice3A_200 : vector<4x576xi1>, vector<4x576xi32>
    %slice3A_202 = vector.extract_strided_slice %select_n3A_195 {offsets = [0, 0], sizes = [2, 576], strides = [1, 1]} : vector<4x576xf32> to vector<2x576xf32>
    %slice3A_203 = vector.extract_strided_slice %select_n3A_195 {offsets = [2, 0], sizes = [2, 576], strides = [1, 1]} : vector<4x576xf32> to vector<2x576xf32>
    %lt3A_204 = arith.cmpf olt, %slice3A_203, %slice3A_202 : vector<2x576xf32>
    %select_n3A_205 = arith.select %lt3A_204, %slice3A_203, %slice3A_202 : vector<2x576xi1>, vector<2x576xf32>
    %slice3A_206 = vector.extract_strided_slice %select_n3A_201 {offsets = [2, 0], sizes = [2, 576], strides = [1, 1]} : vector<4x576xi32> to vector<2x576xi32>
    %add3A_207 = arith.constant 2 : i32
    %add3A_208 = vector.broadcast %add3A_207 : i32 to vector<2x576xi32>
    %add3A_209 = arith.addi %slice3A_206, %add3A_208 : vector<2x576xi32>
    %slice3A_210 = vector.extract_strided_slice %select_n3A_201 {offsets = [0, 0], sizes = [2, 576], strides = [1, 1]} : vector<4x576xi32> to vector<2x576xi32>
    %select_n3A_211 = arith.select %lt3A_204, %add3A_209, %slice3A_210 : vector<2x576xi1>, vector<2x576xi32>
    %slice3A_212 = vector.extract_strided_slice %select_n3A_205 {offsets = [0, 0], sizes = [1, 576], strides = [1, 1]} : vector<2x576xf32> to vector<1x576xf32>
    %slice3A_213 = vector.extract_strided_slice %select_n3A_205 {offsets = [1, 0], sizes = [1, 576], strides = [1, 1]} : vector<2x576xf32> to vector<1x576xf32>
    %lt3A_214 = arith.cmpf olt, %slice3A_213, %slice3A_212 : vector<1x576xf32>
    %slice3A_215 = vector.extract_strided_slice %select_n3A_211 {offsets = [1, 0], sizes = [1, 576], strides = [1, 1]} : vector<2x576xi32> to vector<1x576xi32>
    %add3A_216 = arith.constant 1 : i32
    %add3A_217 = vector.broadcast %add3A_216 : i32 to vector<1x576xi32>
    %add3A_218 = arith.addi %slice3A_215, %add3A_217 : vector<1x576xi32>
    %slice3A_219 = vector.extract_strided_slice %select_n3A_211 {offsets = [0, 0], sizes = [1, 576], strides = [1, 1]} : vector<2x576xi32> to vector<1x576xi32>
    %select_n3A_220 = arith.select %lt3A_214, %add3A_218, %slice3A_219 : vector<1x576xi1>, vector<1x576xi32>
    %squeeze3A_221 = vector.shape_cast %select_n3A_220 : vector<1x576xi32> to vector<576xi32>
    %swap3A_222 = arith.constant 1 : index
    %swap3A_223 = arith.constant 0 : index
    %swap3A_224 = arith.constant 0 : index
    %swap3A_225 = vector.load %arg3[%swap3A_222, %swap3A_223, %swap3A_224] : memref<8x1x576xi32, #tpu.memory_space<vmem>>, vector<1x1x576xi32>
    %swap3A_226 = vector.shape_cast %swap3A_225 : vector<1x1x576xi32> to vector<576xi32>
    %swap3A_227 = vector.shape_cast %squeeze3A_221 : vector<576xi32> to vector<1x1x576xi32>
    tpu.vector_store %arg3[%swap3A_222, %swap3A_223, %swap3A_224], %swap3A_227 {strides = array<i32>} : memref<8x1x576xi32, #tpu.memory_space<vmem>>, vector<1x1x576xi32>,
    %get3A_228 = arith.constant 2 : index
    %get3A_229 = arith.constant 0 : index
    %get3A_230 = arith.constant 0 : index
    %get3A_231 = vector.load %arg1[%get3A_228, %get3A_229, %get3A_230] : memref<8x64x576xf32, #tpu.memory_space<vmem>>, vector<1x64x576xf32>
    %get3A_232 = vector.shape_cast %get3A_231 : vector<1x64x576xf32> to vector<64x576xf32>
    %dot_general3A_233 = arith.constant dense<0.000000e+00> : vector<1024x576xf32>
    %dot_general3A_234 = tpu.matmul %get3A_1, %get3A_232, %dot_general3A_233 {dimension_numbers = #tpu.dot_dimension_numbers<[0], [0], [1], [1], [0, 1, 1, 1], [], []>, transpose_lhs_hint = false} : vector<64x1024xf32>, vector<64x576xf32>, vector<1024x576xf32> -> vector<1024x576xf32>
    %mul3A_235 = arith.constant 2.000000e+00 : f32
    %mul3A_236 = vector.broadcast %mul3A_235 : f32 to vector<1024x576xf32>
    %mul3A_237 = arith.mulf %mul3A_236, %dot_general3A_234 : vector<1024x576xf32>
    %sub3A_238 = arith.subf %broadcast_in_dim3A_4, %mul3A_237 : vector<1024x576xf32>
    %slice3A_239 = vector.extract_strided_slice %sub3A_238 {offsets = [0, 0], sizes = [512, 576], strides = [1, 1]} : vector<1024x576xf32> to vector<512x576xf32>
    %slice3A_240 = vector.extract_strided_slice %sub3A_238 {offsets = [512, 0], sizes = [512, 576], strides = [1, 1]} : vector<1024x576xf32> to vector<512x576xf32>
    %lt3A_241 = arith.cmpf olt, %slice3A_240, %slice3A_239 : vector<512x576xf32>
    %select_n3A_242 = arith.select %lt3A_241, %slice3A_240, %slice3A_239 : vector<512x576xi1>, vector<512x576xf32>
    %jit3A_243 = arith.constant 512 : i32
    %jit3A_244 = arith.constant 0 : i32
    %broadcast_in_dim3A_245 = vector.broadcast %jit3A_243 : i32 to vector<512x576xi32>
    %broadcast_in_dim3A_246 = vector.broadcast %jit3A_244 : i32 to vector<512x576xi32>
    %select_n3A_247 = arith.select %lt3A_241, %broadcast_in_dim3A_245, %broadcast_in_dim3A_246 : vector<512x576xi1>, vector<512x576xi32>
    %slice3A_248 = vector.extract_strided_slice %select_n3A_242 {offsets = [0, 0], sizes = [256, 576], strides = [1, 1]} : vector<512x576xf32> to vector<256x576xf32>
    %slice3A_249 = vector.extract_strided_slice %select_n3A_242 {offsets = [256, 0], sizes = [256, 576], strides = [1, 1]} : vector<512x576xf32> to vector<256x576xf32>
    %lt3A_250 = arith.cmpf olt, %slice3A_249, %slice3A_248 : vector<256x576xf32>
    %select_n3A_251 = arith.select %lt3A_250, %slice3A_249, %slice3A_248 : vector<256x576xi1>, vector<256x576xf32>
    %slice3A_252 = vector.extract_strided_slice %select_n3A_247 {offsets = [256, 0], sizes = [256, 576], strides = [1, 1]} : vector<512x576xi32> to vector<256x576xi32>
    %add3A_253 = arith.constant 256 : i32
    %add3A_254 = vector.broadcast %add3A_253 : i32 to vector<256x576xi32>
    %add3A_255 = arith.addi %slice3A_252, %add3A_254 : vector<256x576xi32>
    %slice3A_256 = vector.extract_strided_slice %select_n3A_247 {offsets = [0, 0], sizes = [256, 576], strides = [1, 1]} : vector<512x576xi32> to vector<256x576xi32>
    %select_n3A_257 = arith.select %lt3A_250, %add3A_255, %slice3A_256 : vector<256x576xi1>, vector<256x576xi32>
    %slice3A_258 = vector.extract_strided_slice %select_n3A_251 {offsets = [0, 0], sizes = [128, 576], strides = [1, 1]} : vector<256x576xf32> to vector<128x576xf32>
    %slice3A_259 = vector.extract_strided_slice %select_n3A_251 {offsets = [128, 0], sizes = [128, 576], strides = [1, 1]} : vector<256x576xf32> to vector<128x576xf32>
    %lt3A_260 = arith.cmpf olt, %slice3A_259, %slice3A_258 : vector<128x576xf32>
    %select_n3A_261 = arith.select %lt3A_260, %slice3A_259, %slice3A_258 : vector<128x576xi1>, vector<128x576xf32>
    %slice3A_262 = vector.extract_strided_slice %select_n3A_257 {offsets = [128, 0], sizes = [128, 576], strides = [1, 1]} : vector<256x576xi32> to vector<128x576xi32>
    %add3A_263 = arith.constant 128 : i32
    %add3A_264 = vector.broadcast %add3A_263 : i32 to vector<128x576xi32>
    %add3A_265 = arith.addi %slice3A_262, %add3A_264 : vector<128x576xi32>
    %slice3A_266 = vector.extract_strided_slice %select_n3A_257 {offsets = [0, 0], sizes = [128, 576], strides = [1, 1]} : vector<256x576xi32> to vector<128x576xi32>
    %select_n3A_267 = arith.select %lt3A_260, %add3A_265, %slice3A_266 : vector<128x576xi1>, vector<128x576xi32>
    %slice3A_268 = vector.extract_strided_slice %select_n3A_261 {offsets = [0, 0], sizes = [64, 576], strides = [1, 1]} : vector<128x576xf32> to vector<64x576xf32>
    %slice3A_269 = vector.extract_strided_slice %select_n3A_261 {offsets = [64, 0], sizes = [64, 576], strides = [1, 1]} : vector<128x576xf32> to vector<64x576xf32>
    %lt3A_270 = arith.cmpf olt, %slice3A_269, %slice3A_268 : vector<64x576xf32>
    %select_n3A_271 = arith.select %lt3A_270, %slice3A_269, %slice3A_268 : vector<64x576xi1>, vector<64x576xf32>
    %slice3A_272 = vector.extract_strided_slice %select_n3A_267 {offsets = [64, 0], sizes = [64, 576], strides = [1, 1]} : vector<128x576xi32> to vector<64x576xi32>
    %add3A_273 = arith.constant 64 : i32
    %add3A_274 = vector.broadcast %add3A_273 : i32 to vector<64x576xi32>
    %add3A_275 = arith.addi %slice3A_272, %add3A_274 : vector<64x576xi32>
    %slice3A_276 = vector.extract_strided_slice %select_n3A_267 {offsets = [0, 0], sizes = [64, 576], strides = [1, 1]} : vector<128x576xi32> to vector<64x576xi32>
    %select_n3A_277 = arith.select %lt3A_270, %add3A_275, %slice3A_276 : vector<64x576xi1>, vector<64x576xi32>
    %slice3A_278 = vector.extract_strided_slice %select_n3A_271 {offsets = [0, 0], sizes = [32, 576], strides = [1, 1]} : vector<64x576xf32> to vector<32x576xf32>
    %slice3A_279 = vector.extract_strided_slice %select_n3A_271 {offsets = [32, 0], sizes = [32, 576], strides = [1, 1]} : vector<64x576xf32> to vector<32x576xf32>
    %lt3A_280 = arith.cmpf olt, %slice3A_279, %slice3A_278 : vector<32x576xf32>
    %select_n3A_281 = arith.select %lt3A_280, %slice3A_279, %slice3A_278 : vector<32x576xi1>, vector<32x576xf32>
    %slice3A_282 = vector.extract_strided_slice %select_n3A_277 {offsets = [32, 0], sizes = [32, 576], strides = [1, 1]} : vector<64x576xi32> to vector<32x576xi32>
    %add3A_283 = arith.constant 32 : i32
    %add3A_284 = vector.broadcast %add3A_283 : i32 to vector<32x576xi32>
    %add3A_285 = arith.addi %slice3A_282, %add3A_284 : vector<32x576xi32>
    %slice3A_286 = vector.extract_strided_slice %select_n3A_277 {offsets = [0, 0], sizes = [32, 576], strides = [1, 1]} : vector<64x576xi32> to vector<32x576xi32>
    %select_n3A_287 = arith.select %lt3A_280, %add3A_285, %slice3A_286 : vector<32x576xi1>, vector<32x576xi32>
    %slice3A_288 = vector.extract_strided_slice %select_n3A_281 {offsets = [0, 0], sizes = [16, 576], strides = [1, 1]} : vector<32x576xf32> to vector<16x576xf32>
    %slice3A_289 = vector.extract_strided_slice %select_n3A_281 {offsets = [16, 0], sizes = [16, 576], strides = [1, 1]} : vector<32x576xf32> to vector<16x576xf32>
    %lt3A_290 = arith.cmpf olt, %slice3A_289, %slice3A_288 : vector<16x576xf32>
    %select_n3A_291 = arith.select %lt3A_290, %slice3A_289, %slice3A_288 : vector<16x576xi1>, vector<16x576xf32>
    %slice3A_292 = vector.extract_strided_slice %select_n3A_287 {offsets = [16, 0], sizes = [16, 576], strides = [1, 1]} : vector<32x576xi32> to vector<16x576xi32>
    %add3A_293 = arith.constant 16 : i32
    %add3A_294 = vector.broadcast %add3A_293 : i32 to vector<16x576xi32>
    %add3A_295 = arith.addi %slice3A_292, %add3A_294 : vector<16x576xi32>
    %slice3A_296 = vector.extract_strided_slice %select_n3A_287 {offsets = [0, 0], sizes = [16, 576], strides = [1, 1]} : vector<32x576xi32> to vector<16x576xi32>
    %select_n3A_297 = arith.select %lt3A_290, %add3A_295, %slice3A_296 : vector<16x576xi1>, vector<16x576xi32>
    %slice3A_298 = vector.extract_strided_slice %select_n3A_291 {offsets = [0, 0], sizes = [8, 576], strides = [1, 1]} : vector<16x576xf32> to vector<8x576xf32>
    %slice3A_299 = vector.extract_strided_slice %select_n3A_291 {offsets = [8, 0], sizes = [8, 576], strides = [1, 1]} : vector<16x576xf32> to vector<8x576xf32>
    %lt3A_300 = arith.cmpf olt, %slice3A_299, %slice3A_298 : vector<8x576xf32>
    %select_n3A_301 = arith.select %lt3A_300, %slice3A_299, %slice3A_298 : vector<8x576xi1>, vector<8x576xf32>
    %slice3A_302 = vector.extract_strided_slice %select_n3A_297 {offsets = [8, 0], sizes = [8, 576], strides = [1, 1]} : vector<16x576xi32> to vector<8x576xi32>
    %add3A_303 = arith.constant 8 : i32
    %add3A_304 = vector.broadcast %add3A_303 : i32 to vector<8x576xi32>
    %add3A_305 = arith.addi %slice3A_302, %add3A_304 : vector<8x576xi32>
    %slice3A_306 = vector.extract_strided_slice %select_n3A_297 {offsets = [0, 0], sizes = [8, 576], strides = [1, 1]} : vector<16x576xi32> to vector<8x576xi32>
    %select_n3A_307 = arith.select %lt3A_300, %add3A_305, %slice3A_306 : vector<8x576xi1>, vector<8x576xi32>
    %slice3A_308 = vector.extract_strided_slice %select_n3A_301 {offsets = [0, 0], sizes = [4, 576], strides = [1, 1]} : vector<8x576xf32> to vector<4x576xf32>
    %slice3A_309 = vector.extract_strided_slice %select_n3A_301 {offsets = [4, 0], sizes = [4, 576], strides = [1, 1]} : vector<8x576xf32> to vector<4x576xf32>
    %lt3A_310 = arith.cmpf olt, %slice3A_309, %slice3A_308 : vector<4x576xf32>
    %select_n3A_311 = arith.select %lt3A_310, %slice3A_309, %slice3A_308 : vector<4x576xi1>, vector<4x576xf32>
    %slice3A_312 = vector.extract_strided_slice %select_n3A_307 {offsets = [4, 0], sizes = [4, 576], strides = [1, 1]} : vector<8x576xi32> to vector<4x576xi32>
    %add3A_313 = arith.constant 4 : i32
    %add3A_314 = vector.broadcast %add3A_313 : i32 to vector<4x576xi32>
    %add3A_315 = arith.addi %slice3A_312, %add3A_314 : vector<4x576xi32>
    %slice3A_316 = vector.extract_strided_slice %select_n3A_307 {offsets = [0, 0], sizes = [4, 576], strides = [1, 1]} : vector<8x576xi32> to vector<4x576xi32>
    %select_n3A_317 = arith.select %lt3A_310, %add3A_315, %slice3A_316 : vector<4x576xi1>, vector<4x576xi32>
    %slice3A_318 = vector.extract_strided_slice %select_n3A_311 {offsets = [0, 0], sizes = [2, 576], strides = [1, 1]} : vector<4x576xf32> to vector<2x576xf32>
    %slice3A_319 = vector.extract_strided_slice %select_n3A_311 {offsets = [2, 0], sizes = [2, 576], strides = [1, 1]} : vector<4x576xf32> to vector<2x576xf32>
    %lt3A_320 = arith.cmpf olt, %slice3A_319, %slice3A_318 : vector<2x576xf32>
    %select_n3A_321 = arith.select %lt3A_320, %slice3A_319, %slice3A_318 : vector<2x576xi1>, vector<2x576xf32>
    %slice3A_322 = vector.extract_strided_slice %select_n3A_317 {offsets = [2, 0], sizes = [2, 576], strides = [1, 1]} : vector<4x576xi32> to vector<2x576xi32>
    %add3A_323 = arith.constant 2 : i32
    %add3A_324 = vector.broadcast %add3A_323 : i32 to vector<2x576xi32>
    %add3A_325 = arith.addi %slice3A_322, %add3A_324 : vector<2x576xi32>
    %slice3A_326 = vector.extract_strided_slice %select_n3A_317 {offsets = [0, 0], sizes = [2, 576], strides = [1, 1]} : vector<4x576xi32> to vector<2x576xi32>
    %select_n3A_327 = arith.select %lt3A_320, %add3A_325, %slice3A_326 : vector<2x576xi1>, vector<2x576xi32>
    %slice3A_328 = vector.extract_strided_slice %select_n3A_321 {offsets = [0, 0], sizes = [1, 576], strides = [1, 1]} : vector<2x576xf32> to vector<1x576xf32>
    %slice3A_329 = vector.extract_strided_slice %select_n3A_321 {offsets = [1, 0], sizes = [1, 576], strides = [1, 1]} : vector<2x576xf32> to vector<1x576xf32>
    %lt3A_330 = arith.cmpf olt, %slice3A_329, %slice3A_328 : vector<1x576xf32>
    %slice3A_331 = vector.extract_strided_slice %select_n3A_327 {offsets = [1, 0], sizes = [1, 576], strides = [1, 1]} : vector<2x576xi32> to vector<1x576xi32>
    %add3A_332 = arith.constant 1 : i32
    %add3A_333 = vector.broadcast %add3A_332 : i32 to vector<1x576xi32>
    %add3A_334 = arith.addi %slice3A_331, %add3A_333 : vector<1x576xi32>
    %slice3A_335 = vector.extract_strided_slice %select_n3A_327 {offsets = [0, 0], sizes = [1, 576], strides = [1, 1]} : vector<2x576xi32> to vector<1x576xi32>
    %select_n3A_336 = arith.select %lt3A_330, %add3A_334, %slice3A_335 : vector<1x576xi1>, vector<1x576xi32>
    %squeeze3A_337 = vector.shape_cast %select_n3A_336 : vector<1x576xi32> to vector<576xi32>
    %swap3A_338 = arith.constant 2 : index
    %swap3A_339 = arith.constant 0 : index
    %swap3A_340 = arith.constant 0 : index
    %swap3A_341 = vector.load %arg3[%swap3A_338, %swap3A_339, %swap3A_340] : memref<8x1x576xi32, #tpu.memory_space<vmem>>, vector<1x1x576xi32>
    %swap3A_342 = vector.shape_cast %swap3A_341 : vector<1x1x576xi32> to vector<576xi32>
    %swap3A_343 = vector.shape_cast %squeeze3A_337 : vector<576xi32> to vector<1x1x576xi32>
    tpu.vector_store %arg3[%swap3A_338, %swap3A_339, %swap3A_340], %swap3A_343 {strides = array<i32>} : memref<8x1x576xi32, #tpu.memory_space<vmem>>, vector<1x1x576xi32>,
    %get3A_344 = arith.constant 3 : index
    %get3A_345 = arith.constant 0 : index
    %get3A_346 = arith.constant 0 : index
    %get3A_347 = vector.load %arg1[%get3A_344, %get3A_345, %get3A_346] : memref<8x64x576xf32, #tpu.memory_space<vmem>>, vector<1x64x576xf32>
    %get3A_348 = vector.shape_cast %get3A_347 : vector<1x64x576xf32> to vector<64x576xf32>
    %dot_general3A_349 = arith.constant dense<0.000000e+00> : vector<1024x576xf32>
    %dot_general3A_350 = tpu.matmul %get3A_1, %get3A_348, %dot_general3A_349 {dimension_numbers = #tpu.dot_dimension_numbers<[0], [0], [1], [1], [0, 1, 1, 1], [], []>, transpose_lhs_hint = false} : vector<64x1024xf32>, vector<64x576xf32>, vector<1024x576xf32> -> vector<1024x576xf32>
    %mul3A_351 = arith.constant 2.000000e+00 : f32
    %mul3A_352 = vector.broadcast %mul3A_351 : f32 to vector<1024x576xf32>
    %mul3A_353 = arith.mulf %mul3A_352, %dot_general3A_350 : vector<1024x576xf32>
    %sub3A_354 = arith.subf %broadcast_in_dim3A_4, %mul3A_353 : vector<1024x576xf32>
    %slice3A_355 = vector.extract_strided_slice %sub3A_354 {offsets = [0, 0], sizes = [512, 576], strides = [1, 1]} : vector<1024x576xf32> to vector<512x576xf32>
    %slice3A_356 = vector.extract_strided_slice %sub3A_354 {offsets = [512, 0], sizes = [512, 576], strides = [1, 1]} : vector<1024x576xf32> to vector<512x576xf32>
    %lt3A_357 = arith.cmpf olt, %slice3A_356, %slice3A_355 : vector<512x576xf32>
    %select_n3A_358 = arith.select %lt3A_357, %slice3A_356, %slice3A_355 : vector<512x576xi1>, vector<512x576xf32>
    %jit3A_359 = arith.constant 512 : i32
    %jit3A_360 = arith.constant 0 : i32
    %broadcast_in_dim3A_361 = vector.broadcast %jit3A_359 : i32 to vector<512x576xi32>
    %broadcast_in_dim3A_362 = vector.broadcast %jit3A_360 : i32 to vector<512x576xi32>
    %select_n3A_363 = arith.select %lt3A_357, %broadcast_in_dim3A_361, %broadcast_in_dim3A_362 : vector<512x576xi1>, vector<512x576xi32>
    %slice3A_364 = vector.extract_strided_slice %select_n3A_358 {offsets = [0, 0], sizes = [256, 576], strides = [1, 1]} : vector<512x576xf32> to vector<256x576xf32>
    %slice3A_365 = vector.extract_strided_slice %select_n3A_358 {offsets = [256, 0], sizes = [256, 576], strides = [1, 1]} : vector<512x576xf32> to vector<256x576xf32>
    %lt3A_366 = arith.cmpf olt, %slice3A_365, %slice3A_364 : vector<256x576xf32>
    %select_n3A_367 = arith.select %lt3A_366, %slice3A_365, %slice3A_364 : vector<256x576xi1>, vector<256x576xf32>
    %slice3A_368 = vector.extract_strided_slice %select_n3A_363 {offsets = [256, 0], sizes = [256, 576], strides = [1, 1]} : vector<512x576xi32> to vector<256x576xi32>
    %add3A_369 = arith.constant 256 : i32
    %add3A_370 = vector.broadcast %add3A_369 : i32 to vector<256x576xi32>
    %add3A_371 = arith.addi %slice3A_368, %add3A_370 : vector<256x576xi32>
    %slice3A_372 = vector.extract_strided_slice %select_n3A_363 {offsets = [0, 0], sizes = [256, 576], strides = [1, 1]} : vector<512x576xi32> to vector<256x576xi32>
    %select_n3A_373 = arith.select %lt3A_366, %add3A_371, %slice3A_372 : vector<256x576xi1>, vector<256x576xi32>
    %slice3A_374 = vector.extract_strided_slice %select_n3A_367 {offsets = [0, 0], sizes = [128, 576], strides = [1, 1]} : vector<256x576xf32> to vector<128x576xf32>
    %slice3A_375 = vector.extract_strided_slice %select_n3A_367 {offsets = [128, 0], sizes = [128, 576], strides = [1, 1]} : vector<256x576xf32> to vector<128x576xf32>
    %lt3A_376 = arith.cmpf olt, %slice3A_375, %slice3A_374 : vector<128x576xf32>
    %select_n3A_377 = arith.select %lt3A_376, %slice3A_375, %slice3A_374 : vector<128x576xi1>, vector<128x576xf32>
    %slice3A_378 = vector.extract_strided_slice %select_n3A_373 {offsets = [128, 0], sizes = [128, 576], strides = [1, 1]} : vector<256x576xi32> to vector<128x576xi32>
    %add3A_379 = arith.constant 128 : i32
    %add3A_380 = vector.broadcast %add3A_379 : i32 to vector<128x576xi32>
    %add3A_381 = arith.addi %slice3A_378, %add3A_380 : vector<128x576xi32>
    %slice3A_382 = vector.extract_strided_slice %select_n3A_373 {offsets = [0, 0], sizes = [128, 576], strides = [1, 1]} : vector<256x576xi32> to vector<128x576xi32>
    %select_n3A_383 = arith.select %lt3A_376, %add3A_381, %slice3A_382 : vector<128x576xi1>, vector<128x576xi32>
    %slice3A_384 = vector.extract_strided_slice %select_n3A_377 {offsets = [0, 0], sizes = [64, 576], strides = [1, 1]} : vector<128x576xf32> to vector<64x576xf32>
    %slice3A_385 = vector.extract_strided_slice %select_n3A_377 {offsets = [64, 0], sizes = [64, 576], strides = [1, 1]} : vector<128x576xf32> to vector<64x576xf32>
    %lt3A_386 = arith.cmpf olt, %slice3A_385, %slice3A_384 : vector<64x576xf32>
    %select_n3A_387 = arith.select %lt3A_386, %slice3A_385, %slice3A_384 : vector<64x576xi1>, vector<64x576xf32>
    %slice3A_388 = vector.extract_strided_slice %select_n3A_383 {offsets = [64, 0], sizes = [64, 576], strides = [1, 1]} : vector<128x576xi32> to vector<64x576xi32>
    %add3A_389 = arith.constant 64 : i32
    %add3A_390 = vector.broadcast %add3A_389 : i32 to vector<64x576xi32>
    %add3A_391 = arith.addi %slice3A_388, %add3A_390 : vector<64x576xi32>
    %slice3A_392 = vector.extract_strided_slice %select_n3A_383 {offsets = [0, 0], sizes = [64, 576], strides = [1, 1]} : vector<128x576xi32> to vector<64x576xi32>
    %select_n3A_393 = arith.select %lt3A_386, %add3A_391, %slice3A_392 : vector<64x576xi1>, vector<64x576xi32>
    %slice3A_394 = vector.extract_strided_slice %select_n3A_387 {offsets = [0, 0], sizes = [32, 576], strides = [1, 1]} : vector<64x576xf32> to vector<32x576xf32>
    %slice3A_395 = vector.extract_strided_slice %select_n3A_387 {offsets = [32, 0], sizes = [32, 576], strides = [1, 1]} : vector<64x576xf32> to vector<32x576xf32>
    %lt3A_396 = arith.cmpf olt, %slice3A_395, %slice3A_394 : vector<32x576xf32>
    %select_n3A_397 = arith.select %lt3A_396, %slice3A_395, %slice3A_394 : vector<32x576xi1>, vector<32x576xf32>
    %slice3A_398 = vector.extract_strided_slice %select_n3A_393 {offsets = [32, 0], sizes = [32, 576], strides = [1, 1]} : vector<64x576xi32> to vector<32x576xi32>
    %add3A_399 = arith.constant 32 : i32
    %add3A_400 = vector.broadcast %add3A_399 : i32 to vector<32x576xi32>
    %add3A_401 = arith.addi %slice3A_398, %add3A_400 : vector<32x576xi32>
    %slice3A_402 = vector.extract_strided_slice %select_n3A_393 {offsets = [0, 0], sizes = [32, 576], strides = [1, 1]} : vector<64x576xi32> to vector<32x576xi32>
    %select_n3A_403 = arith.select %lt3A_396, %add3A_401, %slice3A_402 : vector<32x576xi1>, vector<32x576xi32>
    %slice3A_404 = vector.extract_strided_slice %select_n3A_397 {offsets = [0, 0], sizes = [16, 576], strides = [1, 1]} : vector<32x576xf32> to vector<16x576xf32>
    %slice3A_405 = vector.extract_strided_slice %select_n3A_397 {offsets = [16, 0], sizes = [16, 576], strides = [1, 1]} : vector<32x576xf32> to vector<16x576xf32>
    %lt3A_406 = arith.cmpf olt, %slice3A_405, %slice3A_404 : vector<16x576xf32>
    %select_n3A_407 = arith.select %lt3A_406, %slice3A_405, %slice3A_404 : vector<16x576xi1>, vector<16x576xf32>
    %slice3A_408 = vector.extract_strided_slice %select_n3A_403 {offsets = [16, 0], sizes = [16, 576], strides = [1, 1]} : vector<32x576xi32> to vector<16x576xi32>
    %add3A_409 = arith.constant 16 : i32
    %add3A_410 = vector.broadcast %add3A_409 : i32 to vector<16x576xi32>
    %add3A_411 = arith.addi %slice3A_408, %add3A_410 : vector<16x576xi32>
    %slice3A_412 = vector.extract_strided_slice %select_n3A_403 {offsets = [0, 0], sizes = [16, 576], strides = [1, 1]} : vector<32x576xi32> to vector<16x576xi32>
    %select_n3A_413 = arith.select %lt3A_406, %add3A_411, %slice3A_412 : vector<16x576xi1>, vector<16x576xi32>
    %slice3A_414 = vector.extract_strided_slice %select_n3A_407 {offsets = [0, 0], sizes = [8, 576], strides = [1, 1]} : vector<16x576xf32> to vector<8x576xf32>
    %slice3A_415 = vector.extract_strided_slice %select_n3A_407 {offsets = [8, 0], sizes = [8, 576], strides = [1, 1]} : vector<16x576xf32> to vector<8x576xf32>
    %lt3A_416 = arith.cmpf olt, %slice3A_415, %slice3A_414 : vector<8x576xf32>
    %select_n3A_417 = arith.select %lt3A_416, %slice3A_415, %slice3A_414 : vector<8x576xi1>, vector<8x576xf32>
    %slice3A_418 = vector.extract_strided_slice %select_n3A_413 {offsets = [8, 0], sizes = [8, 576], strides = [1, 1]} : vector<16x576xi32> to vector<8x576xi32>
    %add3A_419 = arith.constant 8 : i32
    %add3A_420 = vector.broadcast %add3A_419 : i32 to vector<8x576xi32>
    %add3A_421 = arith.addi %slice3A_418, %add3A_420 : vector<8x576xi32>
    %slice3A_422 = vector.extract_strided_slice %select_n3A_413 {offsets = [0, 0], sizes = [8, 576], strides = [1, 1]} : vector<16x576xi32> to vector<8x576xi32>
    %select_n3A_423 = arith.select %lt3A_416, %add3A_421, %slice3A_422 : vector<8x576xi1>, vector<8x576xi32>
    %slice3A_424 = vector.extract_strided_slice %select_n3A_417 {offsets = [0, 0], sizes = [4, 576], strides = [1, 1]} : vector<8x576xf32> to vector<4x576xf32>
    %slice3A_425 = vector.extract_strided_slice %select_n3A_417 {offsets = [4, 0], sizes = [4, 576], strides = [1, 1]} : vector<8x576xf32> to vector<4x576xf32>
    %lt3A_426 = arith.cmpf olt, %slice3A_425, %slice3A_424 : vector<4x576xf32>
    %select_n3A_427 = arith.select %lt3A_426, %slice3A_425, %slice3A_424 : vector<4x576xi1>, vector<4x576xf32>
    %slice3A_428 = vector.extract_strided_slice %select_n3A_423 {offsets = [4, 0], sizes = [4, 576], strides = [1, 1]} : vector<8x576xi32> to vector<4x576xi32>
    %add3A_429 = arith.constant 4 : i32
    %add3A_430 = vector.broadcast %add3A_429 : i32 to vector<4x576xi32>
    %add3A_431 = arith.addi %slice3A_428, %add3A_430 : vector<4x576xi32>
    %slice3A_432 = vector.extract_strided_slice %select_n3A_423 {offsets = [0, 0], sizes = [4, 576], strides = [1, 1]} : vector<8x576xi32> to vector<4x576xi32>
    %select_n3A_433 = arith.select %lt3A_426, %add3A_431, %slice3A_432 : vector<4x576xi1>, vector<4x576xi32>
    %slice3A_434 = vector.extract_strided_slice %select_n3A_427 {offsets = [0, 0], sizes = [2, 576], strides = [1, 1]} : vector<4x576xf32> to vector<2x576xf32>
    %slice3A_435 = vector.extract_strided_slice %select_n3A_427 {offsets = [2, 0], sizes = [2, 576], strides = [1, 1]} : vector<4x576xf32> to vector<2x576xf32>
    %lt3A_436 = arith.cmpf olt, %slice3A_435, %slice3A_434 : vector<2x576xf32>
    %select_n3A_437 = arith.select %lt3A_436, %slice3A_435, %slice3A_434 : vector<2x576xi1>, vector<2x576xf32>
    %slice3A_438 = vector.extract_strided_slice %select_n3A_433 {offsets = [2, 0], sizes = [2, 576], strides = [1, 1]} : vector<4x576xi32> to vector<2x576xi32>
    %add3A_439 = arith.constant 2 : i32
    %add3A_440 = vector.broadcast %add3A_439 : i32 to vector<2x576xi32>
    %add3A_441 = arith.addi %slice3A_438, %add3A_440 : vector<2x576xi32>
    %slice3A_442 = vector.extract_strided_slice %select_n3A_433 {offsets = [0, 0], sizes = [2, 576], strides = [1, 1]} : vector<4x576xi32> to vector<2x576xi32>
    %select_n3A_443 = arith.select %lt3A_436, %add3A_441, %slice3A_442 : vector<2x576xi1>, vector<2x576xi32>
    %slice3A_444 = vector.extract_strided_slice %select_n3A_437 {offsets = [0, 0], sizes = [1, 576], strides = [1, 1]} : vector<2x576xf32> to vector<1x576xf32>
    %slice3A_445 = vector.extract_strided_slice %select_n3A_437 {offsets = [1, 0], sizes = [1, 576], strides = [1, 1]} : vector<2x576xf32> to vector<1x576xf32>
    %lt3A_446 = arith.cmpf olt, %slice3A_445, %slice3A_444 : vector<1x576xf32>
    %slice3A_447 = vector.extract_strided_slice %select_n3A_443 {offsets = [1, 0], sizes = [1, 576], strides = [1, 1]} : vector<2x576xi32> to vector<1x576xi32>
    %add3A_448 = arith.constant 1 : i32
    %add3A_449 = vector.broadcast %add3A_448 : i32 to vector<1x576xi32>
    %add3A_450 = arith.addi %slice3A_447, %add3A_449 : vector<1x576xi32>
    %slice3A_451 = vector.extract_strided_slice %select_n3A_443 {offsets = [0, 0], sizes = [1, 576], strides = [1, 1]} : vector<2x576xi32> to vector<1x576xi32>
    %select_n3A_452 = arith.select %lt3A_446, %add3A_450, %slice3A_451 : vector<1x576xi1>, vector<1x576xi32>
    %squeeze3A_453 = vector.shape_cast %select_n3A_452 : vector<1x576xi32> to vector<576xi32>
    %swap3A_454 = arith.constant 3 : index
    %swap3A_455 = arith.constant 0 : index
    %swap3A_456 = arith.constant 0 : index
    %swap3A_457 = vector.load %arg3[%swap3A_454, %swap3A_455, %swap3A_456] : memref<8x1x576xi32, #tpu.memory_space<vmem>>, vector<1x1x576xi32>
    %swap3A_458 = vector.shape_cast %swap3A_457 : vector<1x1x576xi32> to vector<576xi32>
    %swap3A_459 = vector.shape_cast %squeeze3A_453 : vector<576xi32> to vector<1x1x576xi32>
    tpu.vector_store %arg3[%swap3A_454, %swap3A_455, %swap3A_456], %swap3A_459 {strides = array<i32>} : memref<8x1x576xi32, #tpu.memory_space<vmem>>, vector<1x1x576xi32>,
    %get3A_460 = arith.constant 4 : index
    %get3A_461 = arith.constant 0 : index
    %get3A_462 = arith.constant 0 : index
    %get3A_463 = vector.load %arg1[%get3A_460, %get3A_461, %get3A_462] : memref<8x64x576xf32, #tpu.memory_space<vmem>>, vector<1x64x576xf32>
    %get3A_464 = vector.shape_cast %get3A_463 : vector<1x64x576xf32> to vector<64x576xf32>
    %dot_general3A_465 = arith.constant dense<0.000000e+00> : vector<1024x576xf32>
    %dot_general3A_466 = tpu.matmul %get3A_1, %get3A_464, %dot_general3A_465 {dimension_numbers = #tpu.dot_dimension_numbers<[0], [0], [1], [1], [0, 1, 1, 1], [], []>, transpose_lhs_hint = false} : vector<64x1024xf32>, vector<64x576xf32>, vector<1024x576xf32> -> vector<1024x576xf32>
    %mul3A_467 = arith.constant 2.000000e+00 : f32
    %mul3A_468 = vector.broadcast %mul3A_467 : f32 to vector<1024x576xf32>
    %mul3A_469 = arith.mulf %mul3A_468, %dot_general3A_466 : vector<1024x576xf32>
    %sub3A_470 = arith.subf %broadcast_in_dim3A_4, %mul3A_469 : vector<1024x576xf32>
    %slice3A_471 = vector.extract_strided_slice %sub3A_470 {offsets = [0, 0], sizes = [512, 576], strides = [1, 1]} : vector<1024x576xf32> to vector<512x576xf32>
    %slice3A_472 = vector.extract_strided_slice %sub3A_470 {offsets = [512, 0], sizes = [512, 576], strides = [1, 1]} : vector<1024x576xf32> to vector<512x576xf32>
    %lt3A_473 = arith.cmpf olt, %slice3A_472, %slice3A_471 : vector<512x576xf32>
    %select_n3A_474 = arith.select %lt3A_473, %slice3A_472, %slice3A_471 : vector<512x576xi1>, vector<512x576xf32>
    %jit3A_475 = arith.constant 512 : i32
    %jit3A_476 = arith.constant 0 : i32
    %broadcast_in_dim3A_477 = vector.broadcast %jit3A_475 : i32 to vector<512x576xi32>
    %broadcast_in_dim3A_478 = vector.broadcast %jit3A_476 : i32 to vector<512x576xi32>
    %select_n3A_479 = arith.select %lt3A_473, %broadcast_in_dim3A_477, %broadcast_in_dim3A_478 : vector<512x576xi1>, vector<512x576xi32>
    %slice3A_480 = vector.extract_strided_slice %select_n3A_474 {offsets = [0, 0], sizes = [256, 576], strides = [1, 1]} : vector<512x576xf32> to vector<256x576xf32>
    %slice3A_481 = vector.extract_strided_slice %select_n3A_474 {offsets = [256, 0], sizes = [256, 576], strides = [1, 1]} : vector<512x576xf32> to vector<256x576xf32>
    %lt3A_482 = arith.cmpf olt, %slice3A_481, %slice3A_480 : vector<256x576xf32>
    %select_n3A_483 = arith.select %lt3A_482, %slice3A_481, %slice3A_480 : vector<256x576xi1>, vector<256x576xf32>
    %slice3A_484 = vector.extract_strided_slice %select_n3A_479 {offsets = [256, 0], sizes = [256, 576], strides = [1, 1]} : vector<512x576xi32> to vector<256x576xi32>
    %add3A_485 = arith.constant 256 : i32
    %add3A_486 = vector.broadcast %add3A_485 : i32 to vector<256x576xi32>
    %add3A_487 = arith.addi %slice3A_484, %add3A_486 : vector<256x576xi32>
    %slice3A_488 = vector.extract_strided_slice %select_n3A_479 {offsets = [0, 0], sizes = [256, 576], strides = [1, 1]} : vector<512x576xi32> to vector<256x576xi32>
    %select_n3A_489 = arith.select %lt3A_482, %add3A_487, %slice3A_488 : vector<256x576xi1>, vector<256x576xi32>
    %slice3A_490 = vector.extract_strided_slice %select_n3A_483 {offsets = [0, 0], sizes = [128, 576], strides = [1, 1]} : vector<256x576xf32> to vector<128x576xf32>
    %slice3A_491 = vector.extract_strided_slice %select_n3A_483 {offsets = [128, 0], sizes = [128, 576], strides = [1, 1]} : vector<256x576xf32> to vector<128x576xf32>
    %lt3A_492 = arith.cmpf olt, %slice3A_491, %slice3A_490 : vector<128x576xf32>
    %select_n3A_493 = arith.select %lt3A_492, %slice3A_491, %slice3A_490 : vector<128x576xi1>, vector<128x576xf32>
    %slice3A_494 = vector.extract_strided_slice %select_n3A_489 {offsets = [128, 0], sizes = [128, 576], strides = [1, 1]} : vector<256x576xi32> to vector<128x576xi32>
    %add3A_495 = arith.constant 128 : i32
    %add3A_496 = vector.broadcast %add3A_495 : i32 to vector<128x576xi32>
    %add3A_497 = arith.addi %slice3A_494, %add3A_496 : vector<128x576xi32>
    %slice3A_498 = vector.extract_strided_slice %select_n3A_489 {offsets = [0, 0], sizes = [128, 576], strides = [1, 1]} : vector<256x576xi32> to vector<128x576xi32>
    %select_n3A_499 = arith.select %lt3A_492, %add3A_497, %slice3A_498 : vector<128x576xi1>, vector<128x576xi32>
    %slice3A_500 = vector.extract_strided_slice %select_n3A_493 {offsets = [0, 0], sizes = [64, 576], strides = [1, 1]} : vector<128x576xf32> to vector<64x576xf32>
    %slice3A_501 = vector.extract_strided_slice %select_n3A_493 {offsets = [64, 0], sizes = [64, 576], strides = [1, 1]} : vector<128x576xf32> to vector<64x576xf32>
    %lt3A_502 = arith.cmpf olt, %slice3A_501, %slice3A_500 : vector<64x576xf32>
    %select_n3A_503 = arith.select %lt3A_502, %slice3A_501, %slice3A_500 : vector<64x576xi1>, vector<64x576xf32>
    %slice3A_504 = vector.extract_strided_slice %select_n3A_499 {offsets = [64, 0], sizes = [64, 576], strides = [1, 1]} : vector<128x576xi32> to vector<64x576xi32>
    %add3A_505 = arith.constant 64 : i32
    %add3A_506 = vector.broadcast %add3A_505 : i32 to vector<64x576xi32>
    %add3A_507 = arith.addi %slice3A_504, %add3A_506 : vector<64x576xi32>
    %slice3A_508 = vector.extract_strided_slice %select_n3A_499 {offsets = [0, 0], sizes = [64, 576], strides = [1, 1]} : vector<128x576xi32> to vector<64x576xi32>
    %select_n3A_509 = arith.select %lt3A_502, %add3A_507, %slice3A_508 : vector<64x576xi1>, vector<64x576xi32>
    %slice3A_510 = vector.extract_strided_slice %select_n3A_503 {offsets = [0, 0], sizes = [32, 576], strides = [1, 1]} : vector<64x576xf32> to vector<32x576xf32>
    %slice3A_511 = vector.extract_strided_slice %select_n3A_503 {offsets = [32, 0], sizes = [32, 576], strides = [1, 1]} : vector<64x576xf32> to vector<32x576xf32>
    %lt3A_512 = arith.cmpf olt, %slice3A_511, %slice3A_510 : vector<32x576xf32>
    %select_n3A_513 = arith.select %lt3A_512, %slice3A_511, %slice3A_510 : vector<32x576xi1>, vector<32x576xf32>
    %slice3A_514 = vector.extract_strided_slice %select_n3A_509 {offsets = [32, 0], sizes = [32, 576], strides = [1, 1]} : vector<64x576xi32> to vector<32x576xi32>
    %add3A_515 = arith.constant 32 : i32
    %add3A_516 = vector.broadcast %add3A_515 : i32 to vector<32x576xi32>
    %add3A_517 = arith.addi %slice3A_514, %add3A_516 : vector<32x576xi32>
    %slice3A_518 = vector.extract_strided_slice %select_n3A_509 {offsets = [0, 0], sizes = [32, 576], strides = [1, 1]} : vector<64x576xi32> to vector<32x576xi32>
    %select_n3A_519 = arith.select %lt3A_512, %add3A_517, %slice3A_518 : vector<32x576xi1>, vector<32x576xi32>
    %slice3A_520 = vector.extract_strided_slice %select_n3A_513 {offsets = [0, 0], sizes = [16, 576], strides = [1, 1]} : vector<32x576xf32> to vector<16x576xf32>
    %slice3A_521 = vector.extract_strided_slice %select_n3A_513 {offsets = [16, 0], sizes = [16, 576], strides = [1, 1]} : vector<32x576xf32> to vector<16x576xf32>
    %lt3A_522 = arith.cmpf olt, %slice3A_521, %slice3A_520 : vector<16x576xf32>
    %select_n3A_523 = arith.select %lt3A_522, %slice3A_521, %slice3A_520 : vector<16x576xi1>, vector<16x576xf32>
    %slice3A_524 = vector.extract_strided_slice %select_n3A_519 {offsets = [16, 0], sizes = [16, 576], strides = [1, 1]} : vector<32x576xi32> to vector<16x576xi32>
    %add3A_525 = arith.constant 16 : i32
    %add3A_526 = vector.broadcast %add3A_525 : i32 to vector<16x576xi32>
    %add3A_527 = arith.addi %slice3A_524, %add3A_526 : vector<16x576xi32>
    %slice3A_528 = vector.extract_strided_slice %select_n3A_519 {offsets = [0, 0], sizes = [16, 576], strides = [1, 1]} : vector<32x576xi32> to vector<16x576xi32>
    %select_n3A_529 = arith.select %lt3A_522, %add3A_527, %slice3A_528 : vector<16x576xi1>, vector<16x576xi32>
    %slice3A_530 = vector.extract_strided_slice %select_n3A_523 {offsets = [0, 0], sizes = [8, 576], strides = [1, 1]} : vector<16x576xf32> to vector<8x576xf32>
    %slice3A_531 = vector.extract_strided_slice %select_n3A_523 {offsets = [8, 0], sizes = [8, 576], strides = [1, 1]} : vector<16x576xf32> to vector<8x576xf32>
    %lt3A_532 = arith.cmpf olt, %slice3A_531, %slice3A_530 : vector<8x576xf32>
    %select_n3A_533 = arith.select %lt3A_532, %slice3A_531, %slice3A_530 : vector<8x576xi1>, vector<8x576xf32>
    %slice3A_534 = vector.extract_strided_slice %select_n3A_529 {offsets = [8, 0], sizes = [8, 576], strides = [1, 1]} : vector<16x576xi32> to vector<8x576xi32>
    %add3A_535 = arith.constant 8 : i32
    %add3A_536 = vector.broadcast %add3A_535 : i32 to vector<8x576xi32>
    %add3A_537 = arith.addi %slice3A_534, %add3A_536 : vector<8x576xi32>
    %slice3A_538 = vector.extract_strided_slice %select_n3A_529 {offsets = [0, 0], sizes = [8, 576], strides = [1, 1]} : vector<16x576xi32> to vector<8x576xi32>
    %select_n3A_539 = arith.select %lt3A_532, %add3A_537, %slice3A_538 : vector<8x576xi1>, vector<8x576xi32>
    %slice3A_540 = vector.extract_strided_slice %select_n3A_533 {offsets = [0, 0], sizes = [4, 576], strides = [1, 1]} : vector<8x576xf32> to vector<4x576xf32>
    %slice3A_541 = vector.extract_strided_slice %select_n3A_533 {offsets = [4, 0], sizes = [4, 576], strides = [1, 1]} : vector<8x576xf32> to vector<4x576xf32>
    %lt3A_542 = arith.cmpf olt, %slice3A_541, %slice3A_540 : vector<4x576xf32>
    %select_n3A_543 = arith.select %lt3A_542, %slice3A_541, %slice3A_540 : vector<4x576xi1>, vector<4x576xf32>
    %slice3A_544 = vector.extract_strided_slice %select_n3A_539 {offsets = [4, 0], sizes = [4, 576], strides = [1, 1]} : vector<8x576xi32> to vector<4x576xi32>
    %add3A_545 = arith.constant 4 : i32
    %add3A_546 = vector.broadcast %add3A_545 : i32 to vector<4x576xi32>
    %add3A_547 = arith.addi %slice3A_544, %add3A_546 : vector<4x576xi32>
    %slice3A_548 = vector.extract_strided_slice %select_n3A_539 {offsets = [0, 0], sizes = [4, 576], strides = [1, 1]} : vector<8x576xi32> to vector<4x576xi32>
    %select_n3A_549 = arith.select %lt3A_542, %add3A_547, %slice3A_548 : vector<4x576xi1>, vector<4x576xi32>
    %slice3A_550 = vector.extract_strided_slice %select_n3A_543 {offsets = [0, 0], sizes = [2, 576], strides = [1, 1]} : vector<4x576xf32> to vector<2x576xf32>
    %slice3A_551 = vector.extract_strided_slice %select_n3A_543 {offsets = [2, 0], sizes = [2, 576], strides = [1, 1]} : vector<4x576xf32> to vector<2x576xf32>
    %lt3A_552 = arith.cmpf olt, %slice3A_551, %slice3A_550 : vector<2x576xf32>
    %select_n3A_553 = arith.select %lt3A_552, %slice3A_551, %slice3A_550 : vector<2x576xi1>, vector<2x576xf32>
    %slice3A_554 = vector.extract_strided_slice %select_n3A_549 {offsets = [2, 0], sizes = [2, 576], strides = [1, 1]} : vector<4x576xi32> to vector<2x576xi32>
    %add3A_555 = arith.constant 2 : i32
    %add3A_556 = vector.broadcast %add3A_555 : i32 to vector<2x576xi32>
    %add3A_557 = arith.addi %slice3A_554, %add3A_556 : vector<2x576xi32>
    %slice3A_558 = vector.extract_strided_slice %select_n3A_549 {offsets = [0, 0], sizes = [2, 576], strides = [1, 1]} : vector<4x576xi32> to vector<2x576xi32>
    %select_n3A_559 = arith.select %lt3A_552, %add3A_557, %slice3A_558 : vector<2x576xi1>, vector<2x576xi32>
    %slice3A_560 = vector.extract_strided_slice %select_n3A_553 {offsets = [0, 0], sizes = [1, 576], strides = [1, 1]} : vector<2x576xf32> to vector<1x576xf32>
    %slice3A_561 = vector.extract_strided_slice %select_n3A_553 {offsets = [1, 0], sizes = [1, 576], strides = [1, 1]} : vector<2x576xf32> to vector<1x576xf32>
    %lt3A_562 = arith.cmpf olt, %slice3A_561, %slice3A_560 : vector<1x576xf32>
    %slice3A_563 = vector.extract_strided_slice %select_n3A_559 {offsets = [1, 0], sizes = [1, 576], strides = [1, 1]} : vector<2x576xi32> to vector<1x576xi32>
    %add3A_564 = arith.constant 1 : i32
    %add3A_565 = vector.broadcast %add3A_564 : i32 to vector<1x576xi32>
    %add3A_566 = arith.addi %slice3A_563, %add3A_565 : vector<1x576xi32>
    %slice3A_567 = vector.extract_strided_slice %select_n3A_559 {offsets = [0, 0], sizes = [1, 576], strides = [1, 1]} : vector<2x576xi32> to vector<1x576xi32>
    %select_n3A_568 = arith.select %lt3A_562, %add3A_566, %slice3A_567 : vector<1x576xi1>, vector<1x576xi32>
    %squeeze3A_569 = vector.shape_cast %select_n3A_568 : vector<1x576xi32> to vector<576xi32>
    %swap3A_570 = arith.constant 4 : index
    %swap3A_571 = arith.constant 0 : index
    %swap3A_572 = arith.constant 0 : index
    %swap3A_573 = vector.load %arg3[%swap3A_570, %swap3A_571, %swap3A_572] : memref<8x1x576xi32, #tpu.memory_space<vmem>>, vector<1x1x576xi32>
    %swap3A_574 = vector.shape_cast %swap3A_573 : vector<1x1x576xi32> to vector<576xi32>
    %swap3A_575 = vector.shape_cast %squeeze3A_569 : vector<576xi32> to vector<1x1x576xi32>
    tpu.vector_store %arg3[%swap3A_570, %swap3A_571, %swap3A_572], %swap3A_575 {strides = array<i32>} : memref<8x1x576xi32, #tpu.memory_space<vmem>>, vector<1x1x576xi32>,
    %get3A_576 = arith.constant 5 : index
    %get3A_577 = arith.constant 0 : index
    %get3A_578 = arith.constant 0 : index
    %get3A_579 = vector.load %arg1[%get3A_576, %get3A_577, %get3A_578] : memref<8x64x576xf32, #tpu.memory_space<vmem>>, vector<1x64x576xf32>
    %get3A_580 = vector.shape_cast %get3A_579 : vector<1x64x576xf32> to vector<64x576xf32>
    %dot_general3A_581 = arith.constant dense<0.000000e+00> : vector<1024x576xf32>
    %dot_general3A_582 = tpu.matmul %get3A_1, %get3A_580, %dot_general3A_581 {dimension_numbers = #tpu.dot_dimension_numbers<[0], [0], [1], [1], [0, 1, 1, 1], [], []>, transpose_lhs_hint = false} : vector<64x1024xf32>, vector<64x576xf32>, vector<1024x576xf32> -> vector<1024x576xf32>
    %mul3A_583 = arith.constant 2.000000e+00 : f32
    %mul3A_584 = vector.broadcast %mul3A_583 : f32 to vector<1024x576xf32>
    %mul3A_585 = arith.mulf %mul3A_584, %dot_general3A_582 : vector<1024x576xf32>
    %sub3A_586 = arith.subf %broadcast_in_dim3A_4, %mul3A_585 : vector<1024x576xf32>
    %slice3A_587 = vector.extract_strided_slice %sub3A_586 {offsets = [0, 0], sizes = [512, 576], strides = [1, 1]} : vector<1024x576xf32> to vector<512x576xf32>
    %slice3A_588 = vector.extract_strided_slice %sub3A_586 {offsets = [512, 0], sizes = [512, 576], strides = [1, 1]} : vector<1024x576xf32> to vector<512x576xf32>
    %lt3A_589 = arith.cmpf olt, %slice3A_588, %slice3A_587 : vector<512x576xf32>
    %select_n3A_590 = arith.select %lt3A_589, %slice3A_588, %slice3A_587 : vector<512x576xi1>, vector<512x576xf32>
    %jit3A_591 = arith.constant 512 : i32
    %jit3A_592 = arith.constant 0 : i32
    %broadcast_in_dim3A_593 = vector.broadcast %jit3A_591 : i32 to vector<512x576xi32>
    %broadcast_in_dim3A_594 = vector.broadcast %jit3A_592 : i32 to vector<512x576xi32>
    %select_n3A_595 = arith.select %lt3A_589, %broadcast_in_dim3A_593, %broadcast_in_dim3A_594 : vector<512x576xi1>, vector<512x576xi32>
    %slice3A_596 = vector.extract_strided_slice %select_n3A_590 {offsets = [0, 0], sizes = [256, 576], strides = [1, 1]} : vector<512x576xf32> to vector<256x576xf32>
    %slice3A_597 = vector.extract_strided_slice %select_n3A_590 {offsets = [256, 0], sizes = [256, 576], strides = [1, 1]} : vector<512x576xf32> to vector<256x576xf32>
    %lt3A_598 = arith.cmpf olt, %slice3A_597, %slice3A_596 : vector<256x576xf32>
    %select_n3A_599 = arith.select %lt3A_598, %slice3A_597, %slice3A_596 : vector<256x576xi1>, vector<256x576xf32>
    %slice3A_600 = vector.extract_strided_slice %select_n3A_595 {offsets = [256, 0], sizes = [256, 576], strides = [1, 1]} : vector<512x576xi32> to vector<256x576xi32>
    %add3A_601 = arith.constant 256 : i32
    %add3A_602 = vector.broadcast %add3A_601 : i32 to vector<256x576xi32>
    %add3A_603 = arith.addi %slice3A_600, %add3A_602 : vector<256x576xi32>
    %slice3A_604 = vector.extract_strided_slice %select_n3A_595 {offsets = [0, 0], sizes = [256, 576], strides = [1, 1]} : vector<512x576xi32> to vector<256x576xi32>
    %select_n3A_605 = arith.select %lt3A_598, %add3A_603, %slice3A_604 : vector<256x576xi1>, vector<256x576xi32>
    %slice3A_606 = vector.extract_strided_slice %select_n3A_599 {offsets = [0, 0], sizes = [128, 576], strides = [1, 1]} : vector<256x576xf32> to vector<128x576xf32>
    %slice3A_607 = vector.extract_strided_slice %select_n3A_599 {offsets = [128, 0], sizes = [128, 576], strides = [1, 1]} : vector<256x576xf32> to vector<128x576xf32>
    %lt3A_608 = arith.cmpf olt, %slice3A_607, %slice3A_606 : vector<128x576xf32>
    %select_n3A_609 = arith.select %lt3A_608, %slice3A_607, %slice3A_606 : vector<128x576xi1>, vector<128x576xf32>
    %slice3A_610 = vector.extract_strided_slice %select_n3A_605 {offsets = [128, 0], sizes = [128, 576], strides = [1, 1]} : vector<256x576xi32> to vector<128x576xi32>
    %add3A_611 = arith.constant 128 : i32
    %add3A_612 = vector.broadcast %add3A_611 : i32 to vector<128x576xi32>
    %add3A_613 = arith.addi %slice3A_610, %add3A_612 : vector<128x576xi32>
    %slice3A_614 = vector.extract_strided_slice %select_n3A_605 {offsets = [0, 0], sizes = [128, 576], strides = [1, 1]} : vector<256x576xi32> to vector<128x576xi32>
    %select_n3A_615 = arith.select %lt3A_608, %add3A_613, %slice3A_614 : vector<128x576xi1>, vector<128x576xi32>
    %slice3A_616 = vector.extract_strided_slice %select_n3A_609 {offsets = [0, 0], sizes = [64, 576], strides = [1, 1]} : vector<128x576xf32> to vector<64x576xf32>
    %slice3A_617 = vector.extract_strided_slice %select_n3A_609 {offsets = [64, 0], sizes = [64, 576], strides = [1, 1]} : vector<128x576xf32> to vector<64x576xf32>
    %lt3A_618 = arith.cmpf olt, %slice3A_617, %slice3A_616 : vector<64x576xf32>
    %select_n3A_619 = arith.select %lt3A_618, %slice3A_617, %slice3A_616 : vector<64x576xi1>, vector<64x576xf32>
    %slice3A_620 = vector.extract_strided_slice %select_n3A_615 {offsets = [64, 0], sizes = [64, 576], strides = [1, 1]} : vector<128x576xi32> to vector<64x576xi32>
    %add3A_621 = arith.constant 64 : i32
    %add3A_622 = vector.broadcast %add3A_621 : i32 to vector<64x576xi32>
    %add3A_623 = arith.addi %slice3A_620, %add3A_622 : vector<64x576xi32>
    %slice3A_624 = vector.extract_strided_slice %select_n3A_615 {offsets = [0, 0], sizes = [64, 576], strides = [1, 1]} : vector<128x576xi32> to vector<64x576xi32>
    %select_n3A_625 = arith.select %lt3A_618, %add3A_623, %slice3A_624 : vector<64x576xi1>, vector<64x576xi32>
    %slice3A_626 = vector.extract_strided_slice %select_n3A_619 {offsets = [0, 0], sizes = [32, 576], strides = [1, 1]} : vector<64x576xf32> to vector<32x576xf32>
    %slice3A_627 = vector.extract_strided_slice %select_n3A_619 {offsets = [32, 0], sizes = [32, 576], strides = [1, 1]} : vector<64x576xf32> to vector<32x576xf32>
    %lt3A_628 = arith.cmpf olt, %slice3A_627, %slice3A_626 : vector<32x576xf32>
    %select_n3A_629 = arith.select %lt3A_628, %slice3A_627, %slice3A_626 : vector<32x576xi1>, vector<32x576xf32>
    %slice3A_630 = vector.extract_strided_slice %select_n3A_625 {offsets = [32, 0], sizes = [32, 576], strides = [1, 1]} : vector<64x576xi32> to vector<32x576xi32>
    %add3A_631 = arith.constant 32 : i32
    %add3A_632 = vector.broadcast %add3A_631 : i32 to vector<32x576xi32>
    %add3A_633 = arith.addi %slice3A_630, %add3A_632 : vector<32x576xi32>
    %slice3A_634 = vector.extract_strided_slice %select_n3A_625 {offsets = [0, 0], sizes = [32, 576], strides = [1, 1]} : vector<64x576xi32> to vector<32x576xi32>
    %select_n3A_635 = arith.select %lt3A_628, %add3A_633, %slice3A_634 : vector<32x576xi1>, vector<32x576xi32>
    %slice3A_636 = vector.extract_strided_slice %select_n3A_629 {offsets = [0, 0], sizes = [16, 576], strides = [1, 1]} : vector<32x576xf32> to vector<16x576xf32>
    %slice3A_637 = vector.extract_strided_slice %select_n3A_629 {offsets = [16, 0], sizes = [16, 576], strides = [1, 1]} : vector<32x576xf32> to vector<16x576xf32>
    %lt3A_638 = arith.cmpf olt, %slice3A_637, %slice3A_636 : vector<16x576xf32>
    %select_n3A_639 = arith.select %lt3A_638, %slice3A_637, %slice3A_636 : vector<16x576xi1>, vector<16x576xf32>
    %slice3A_640 = vector.extract_strided_slice %select_n3A_635 {offsets = [16, 0], sizes = [16, 576], strides = [1, 1]} : vector<32x576xi32> to vector<16x576xi32>
    %add3A_641 = arith.constant 16 : i32
    %add3A_642 = vector.broadcast %add3A_641 : i32 to vector<16x576xi32>
    %add3A_643 = arith.addi %slice3A_640, %add3A_642 : vector<16x576xi32>
    %slice3A_644 = vector.extract_strided_slice %select_n3A_635 {offsets = [0, 0], sizes = [16, 576], strides = [1, 1]} : vector<32x576xi32> to vector<16x576xi32>
    %select_n3A_645 = arith.select %lt3A_638, %add3A_643, %slice3A_644 : vector<16x576xi1>, vector<16x576xi32>
    %slice3A_646 = vector.extract_strided_slice %select_n3A_639 {offsets = [0, 0], sizes = [8, 576], strides = [1, 1]} : vector<16x576xf32> to vector<8x576xf32>
    %slice3A_647 = vector.extract_strided_slice %select_n3A_639 {offsets = [8, 0], sizes = [8, 576], strides = [1, 1]} : vector<16x576xf32> to vector<8x576xf32>
    %lt3A_648 = arith.cmpf olt, %slice3A_647, %slice3A_646 : vector<8x576xf32>
    %select_n3A_649 = arith.select %lt3A_648, %slice3A_647, %slice3A_646 : vector<8x576xi1>, vector<8x576xf32>
    %slice3A_650 = vector.extract_strided_slice %select_n3A_645 {offsets = [8, 0], sizes = [8, 576], strides = [1, 1]} : vector<16x576xi32> to vector<8x576xi32>
    %add3A_651 = arith.constant 8 : i32
    %add3A_652 = vector.broadcast %add3A_651 : i32 to vector<8x576xi32>
    %add3A_653 = arith.addi %slice3A_650, %add3A_652 : vector<8x576xi32>
    %slice3A_654 = vector.extract_strided_slice %select_n3A_645 {offsets = [0, 0], sizes = [8, 576], strides = [1, 1]} : vector<16x576xi32> to vector<8x576xi32>
    %select_n3A_655 = arith.select %lt3A_648, %add3A_653, %slice3A_654 : vector<8x576xi1>, vector<8x576xi32>
    %slice3A_656 = vector.extract_strided_slice %select_n3A_649 {offsets = [0, 0], sizes = [4, 576], strides = [1, 1]} : vector<8x576xf32> to vector<4x576xf32>
    %slice3A_657 = vector.extract_strided_slice %select_n3A_649 {offsets = [4, 0], sizes = [4, 576], strides = [1, 1]} : vector<8x576xf32> to vector<4x576xf32>
    %lt3A_658 = arith.cmpf olt, %slice3A_657, %slice3A_656 : vector<4x576xf32>
    %select_n3A_659 = arith.select %lt3A_658, %slice3A_657, %slice3A_656 : vector<4x576xi1>, vector<4x576xf32>
    %slice3A_660 = vector.extract_strided_slice %select_n3A_655 {offsets = [4, 0], sizes = [4, 576], strides = [1, 1]} : vector<8x576xi32> to vector<4x576xi32>
    %add3A_661 = arith.constant 4 : i32
    %add3A_662 = vector.broadcast %add3A_661 : i32 to vector<4x576xi32>
    %add3A_663 = arith.addi %slice3A_660, %add3A_662 : vector<4x576xi32>
    %slice3A_664 = vector.extract_strided_slice %select_n3A_655 {offsets = [0, 0], sizes = [4, 576], strides = [1, 1]} : vector<8x576xi32> to vector<4x576xi32>
    %select_n3A_665 = arith.select %lt3A_658, %add3A_663, %slice3A_664 : vector<4x576xi1>, vector<4x576xi32>
    %slice3A_666 = vector.extract_strided_slice %select_n3A_659 {offsets = [0, 0], sizes = [2, 576], strides = [1, 1]} : vector<4x576xf32> to vector<2x576xf32>
    %slice3A_667 = vector.extract_strided_slice %select_n3A_659 {offsets = [2, 0], sizes = [2, 576], strides = [1, 1]} : vector<4x576xf32> to vector<2x576xf32>
    %lt3A_668 = arith.cmpf olt, %slice3A_667, %slice3A_666 : vector<2x576xf32>
    %select_n3A_669 = arith.select %lt3A_668, %slice3A_667, %slice3A_666 : vector<2x576xi1>, vector<2x576xf32>
    %slice3A_670 = vector.extract_strided_slice %select_n3A_665 {offsets = [2, 0], sizes = [2, 576], strides = [1, 1]} : vector<4x576xi32> to vector<2x576xi32>
    %add3A_671 = arith.constant 2 : i32
    %add3A_672 = vector.broadcast %add3A_671 : i32 to vector<2x576xi32>
    %add3A_673 = arith.addi %slice3A_670, %add3A_672 : vector<2x576xi32>
    %slice3A_674 = vector.extract_strided_slice %select_n3A_665 {offsets = [0, 0], sizes = [2, 576], strides = [1, 1]} : vector<4x576xi32> to vector<2x576xi32>
    %select_n3A_675 = arith.select %lt3A_668, %add3A_673, %slice3A_674 : vector<2x576xi1>, vector<2x576xi32>
    %slice3A_676 = vector.extract_strided_slice %select_n3A_669 {offsets = [0, 0], sizes = [1, 576], strides = [1, 1]} : vector<2x576xf32> to vector<1x576xf32>
    %slice3A_677 = vector.extract_strided_slice %select_n3A_669 {offsets = [1, 0], sizes = [1, 576], strides = [1, 1]} : vector<2x576xf32> to vector<1x576xf32>
    %lt3A_678 = arith.cmpf olt, %slice3A_677, %slice3A_676 : vector<1x576xf32>
    %slice3A_679 = vector.extract_strided_slice %select_n3A_675 {offsets = [1, 0], sizes = [1, 576], strides = [1, 1]} : vector<2x576xi32> to vector<1x576xi32>
    %add3A_680 = arith.constant 1 : i32
    %add3A_681 = vector.broadcast %add3A_680 : i32 to vector<1x576xi32>
    %add3A_682 = arith.addi %slice3A_679, %add3A_681 : vector<1x576xi32>
    %slice3A_683 = vector.extract_strided_slice %select_n3A_675 {offsets = [0, 0], sizes = [1, 576], strides = [1, 1]} : vector<2x576xi32> to vector<1x576xi32>
    %select_n3A_684 = arith.select %lt3A_678, %add3A_682, %slice3A_683 : vector<1x576xi1>, vector<1x576xi32>
    %squeeze3A_685 = vector.shape_cast %select_n3A_684 : vector<1x576xi32> to vector<576xi32>
    %swap3A_686 = arith.constant 5 : index
    %swap3A_687 = arith.constant 0 : index
    %swap3A_688 = arith.constant 0 : index
    %swap3A_689 = vector.load %arg3[%swap3A_686, %swap3A_687, %swap3A_688] : memref<8x1x576xi32, #tpu.memory_space<vmem>>, vector<1x1x576xi32>
    %swap3A_690 = vector.shape_cast %swap3A_689 : vector<1x1x576xi32> to vector<576xi32>
    %swap3A_691 = vector.shape_cast %squeeze3A_685 : vector<576xi32> to vector<1x1x576xi32>
    tpu.vector_store %arg3[%swap3A_686, %swap3A_687, %swap3A_688], %swap3A_691 {strides = array<i32>} : memref<8x1x576xi32, #tpu.memory_space<vmem>>, vector<1x1x576xi32>,
    %get3A_692 = arith.constant 6 : index
    %get3A_693 = arith.constant 0 : index
    %get3A_694 = arith.constant 0 : index
    %get3A_695 = vector.load %arg1[%get3A_692, %get3A_693, %get3A_694] : memref<8x64x576xf32, #tpu.memory_space<vmem>>, vector<1x64x576xf32>
    %get3A_696 = vector.shape_cast %get3A_695 : vector<1x64x576xf32> to vector<64x576xf32>
    %dot_general3A_697 = arith.constant dense<0.000000e+00> : vector<1024x576xf32>
    %dot_general3A_698 = tpu.matmul %get3A_1, %get3A_696, %dot_general3A_697 {dimension_numbers = #tpu.dot_dimension_numbers<[0], [0], [1], [1], [0, 1, 1, 1], [], []>, transpose_lhs_hint = false} : vector<64x1024xf32>, vector<64x576xf32>, vector<1024x576xf32> -> vector<1024x576xf32>
    %mul3A_699 = arith.constant 2.000000e+00 : f32
    %mul3A_700 = vector.broadcast %mul3A_699 : f32 to vector<1024x576xf32>
    %mul3A_701 = arith.mulf %mul3A_700, %dot_general3A_698 : vector<1024x576xf32>
    %sub3A_702 = arith.subf %broadcast_in_dim3A_4, %mul3A_701 : vector<1024x576xf32>
    %slice3A_703 = vector.extract_strided_slice %sub3A_702 {offsets = [0, 0], sizes = [512, 576], strides = [1, 1]} : vector<1024x576xf32> to vector<512x576xf32>
    %slice3A_704 = vector.extract_strided_slice %sub3A_702 {offsets = [512, 0], sizes = [512, 576], strides = [1, 1]} : vector<1024x576xf32> to vector<512x576xf32>
    %lt3A_705 = arith.cmpf olt, %slice3A_704, %slice3A_703 : vector<512x576xf32>
    %select_n3A_706 = arith.select %lt3A_705, %slice3A_704, %slice3A_703 : vector<512x576xi1>, vector<512x576xf32>
    %jit3A_707 = arith.constant 512 : i32
    %jit3A_708 = arith.constant 0 : i32
    %broadcast_in_dim3A_709 = vector.broadcast %jit3A_707 : i32 to vector<512x576xi32>
    %broadcast_in_dim3A_710 = vector.broadcast %jit3A_708 : i32 to vector<512x576xi32>
    %select_n3A_711 = arith.select %lt3A_705, %broadcast_in_dim3A_709, %broadcast_in_dim3A_710 : vector<512x576xi1>, vector<512x576xi32>
    %slice3A_712 = vector.extract_strided_slice %select_n3A_706 {offsets = [0, 0], sizes = [256, 576], strides = [1, 1]} : vector<512x576xf32> to vector<256x576xf32>
    %slice3A_713 = vector.extract_strided_slice %select_n3A_706 {offsets = [256, 0], sizes = [256, 576], strides = [1, 1]} : vector<512x576xf32> to vector<256x576xf32>
    %lt3A_714 = arith.cmpf olt, %slice3A_713, %slice3A_712 : vector<256x576xf32>
    %select_n3A_715 = arith.select %lt3A_714, %slice3A_713, %slice3A_712 : vector<256x576xi1>, vector<256x576xf32>
    %slice3A_716 = vector.extract_strided_slice %select_n3A_711 {offsets = [256, 0], sizes = [256, 576], strides = [1, 1]} : vector<512x576xi32> to vector<256x576xi32>
    %add3A_717 = arith.constant 256 : i32
    %add3A_718 = vector.broadcast %add3A_717 : i32 to vector<256x576xi32>
    %add3A_719 = arith.addi %slice3A_716, %add3A_718 : vector<256x576xi32>
    %slice3A_720 = vector.extract_strided_slice %select_n3A_711 {offsets = [0, 0], sizes = [256, 576], strides = [1, 1]} : vector<512x576xi32> to vector<256x576xi32>
    %select_n3A_721 = arith.select %lt3A_714, %add3A_719, %slice3A_720 : vector<256x576xi1>, vector<256x576xi32>
    %slice3A_722 = vector.extract_strided_slice %select_n3A_715 {offsets = [0, 0], sizes = [128, 576], strides = [1, 1]} : vector<256x576xf32> to vector<128x576xf32>
    %slice3A_723 = vector.extract_strided_slice %select_n3A_715 {offsets = [128, 0], sizes = [128, 576], strides = [1, 1]} : vector<256x576xf32> to vector<128x576xf32>
    %lt3A_724 = arith.cmpf olt, %slice3A_723, %slice3A_722 : vector<128x576xf32>
    %select_n3A_725 = arith.select %lt3A_724, %slice3A_723, %slice3A_722 : vector<128x576xi1>, vector<128x576xf32>
    %slice3A_726 = vector.extract_strided_slice %select_n3A_721 {offsets = [128, 0], sizes = [128, 576], strides = [1, 1]} : vector<256x576xi32> to vector<128x576xi32>
    %add3A_727 = arith.constant 128 : i32
    %add3A_728 = vector.broadcast %add3A_727 : i32 to vector<128x576xi32>
    %add3A_729 = arith.addi %slice3A_726, %add3A_728 : vector<128x576xi32>
    %slice3A_730 = vector.extract_strided_slice %select_n3A_721 {offsets = [0, 0], sizes = [128, 576], strides = [1, 1]} : vector<256x576xi32> to vector<128x576xi32>
    %select_n3A_731 = arith.select %lt3A_724, %add3A_729, %slice3A_730 : vector<128x576xi1>, vector<128x576xi32>
    %slice3A_732 = vector.extract_strided_slice %select_n3A_725 {offsets = [0, 0], sizes = [64, 576], strides = [1, 1]} : vector<128x576xf32> to vector<64x576xf32>
    %slice3A_733 = vector.extract_strided_slice %select_n3A_725 {offsets = [64, 0], sizes = [64, 576], strides = [1, 1]} : vector<128x576xf32> to vector<64x576xf32>
    %lt3A_734 = arith.cmpf olt, %slice3A_733, %slice3A_732 : vector<64x576xf32>
    %select_n3A_735 = arith.select %lt3A_734, %slice3A_733, %slice3A_732 : vector<64x576xi1>, vector<64x576xf32>
    %slice3A_736 = vector.extract_strided_slice %select_n3A_731 {offsets = [64, 0], sizes = [64, 576], strides = [1, 1]} : vector<128x576xi32> to vector<64x576xi32>
    %add3A_737 = arith.constant 64 : i32
    %add3A_738 = vector.broadcast %add3A_737 : i32 to vector<64x576xi32>
    %add3A_739 = arith.addi %slice3A_736, %add3A_738 : vector<64x576xi32>
    %slice3A_740 = vector.extract_strided_slice %select_n3A_731 {offsets = [0, 0], sizes = [64, 576], strides = [1, 1]} : vector<128x576xi32> to vector<64x576xi32>
    %select_n3A_741 = arith.select %lt3A_734, %add3A_739, %slice3A_740 : vector<64x576xi1>, vector<64x576xi32>
    %slice3A_742 = vector.extract_strided_slice %select_n3A_735 {offsets = [0, 0], sizes = [32, 576], strides = [1, 1]} : vector<64x576xf32> to vector<32x576xf32>
    %slice3A_743 = vector.extract_strided_slice %select_n3A_735 {offsets = [32, 0], sizes = [32, 576], strides = [1, 1]} : vector<64x576xf32> to vector<32x576xf32>
    %lt3A_744 = arith.cmpf olt, %slice3A_743, %slice3A_742 : vector<32x576xf32>
    %select_n3A_745 = arith.select %lt3A_744, %slice3A_743, %slice3A_742 : vector<32x576xi1>, vector<32x576xf32>
    %slice3A_746 = vector.extract_strided_slice %select_n3A_741 {offsets = [32, 0], sizes = [32, 576], strides = [1, 1]} : vector<64x576xi32> to vector<32x576xi32>
    %add3A_747 = arith.constant 32 : i32
    %add3A_748 = vector.broadcast %add3A_747 : i32 to vector<32x576xi32>
    %add3A_749 = arith.addi %slice3A_746, %add3A_748 : vector<32x576xi32>
    %slice3A_750 = vector.extract_strided_slice %select_n3A_741 {offsets = [0, 0], sizes = [32, 576], strides = [1, 1]} : vector<64x576xi32> to vector<32x576xi32>
    %select_n3A_751 = arith.select %lt3A_744, %add3A_749, %slice3A_750 : vector<32x576xi1>, vector<32x576xi32>
    %slice3A_752 = vector.extract_strided_slice %select_n3A_745 {offsets = [0, 0], sizes = [16, 576], strides = [1, 1]} : vector<32x576xf32> to vector<16x576xf32>
    %slice3A_753 = vector.extract_strided_slice %select_n3A_745 {offsets = [16, 0], sizes = [16, 576], strides = [1, 1]} : vector<32x576xf32> to vector<16x576xf32>
    %lt3A_754 = arith.cmpf olt, %slice3A_753, %slice3A_752 : vector<16x576xf32>
    %select_n3A_755 = arith.select %lt3A_754, %slice3A_753, %slice3A_752 : vector<16x576xi1>, vector<16x576xf32>
    %slice3A_756 = vector.extract_strided_slice %select_n3A_751 {offsets = [16, 0], sizes = [16, 576], strides = [1, 1]} : vector<32x576xi32> to vector<16x576xi32>
    %add3A_757 = arith.constant 16 : i32
    %add3A_758 = vector.broadcast %add3A_757 : i32 to vector<16x576xi32>
    %add3A_759 = arith.addi %slice3A_756, %add3A_758 : vector<16x576xi32>
    %slice3A_760 = vector.extract_strided_slice %select_n3A_751 {offsets = [0, 0], sizes = [16, 576], strides = [1, 1]} : vector<32x576xi32> to vector<16x576xi32>
    %select_n3A_761 = arith.select %lt3A_754, %add3A_759, %slice3A_760 : vector<16x576xi1>, vector<16x576xi32>
    %slice3A_762 = vector.extract_strided_slice %select_n3A_755 {offsets = [0, 0], sizes = [8, 576], strides = [1, 1]} : vector<16x576xf32> to vector<8x576xf32>
    %slice3A_763 = vector.extract_strided_slice %select_n3A_755 {offsets = [8, 0], sizes = [8, 576], strides = [1, 1]} : vector<16x576xf32> to vector<8x576xf32>
    %lt3A_764 = arith.cmpf olt, %slice3A_763, %slice3A_762 : vector<8x576xf32>
    %select_n3A_765 = arith.select %lt3A_764, %slice3A_763, %slice3A_762 : vector<8x576xi1>, vector<8x576xf32>
    %slice3A_766 = vector.extract_strided_slice %select_n3A_761 {offsets = [8, 0], sizes = [8, 576], strides = [1, 1]} : vector<16x576xi32> to vector<8x576xi32>
    %add3A_767 = arith.constant 8 : i32
    %add3A_768 = vector.broadcast %add3A_767 : i32 to vector<8x576xi32>
    %add3A_769 = arith.addi %slice3A_766, %add3A_768 : vector<8x576xi32>
    %slice3A_770 = vector.extract_strided_slice %select_n3A_761 {offsets = [0, 0], sizes = [8, 576], strides = [1, 1]} : vector<16x576xi32> to vector<8x576xi32>
    %select_n3A_771 = arith.select %lt3A_764, %add3A_769, %slice3A_770 : vector<8x576xi1>, vector<8x576xi32>
    %slice3A_772 = vector.extract_strided_slice %select_n3A_765 {offsets = [0, 0], sizes = [4, 576], strides = [1, 1]} : vector<8x576xf32> to vector<4x576xf32>
    %slice3A_773 = vector.extract_strided_slice %select_n3A_765 {offsets = [4, 0], sizes = [4, 576], strides = [1, 1]} : vector<8x576xf32> to vector<4x576xf32>
    %lt3A_774 = arith.cmpf olt, %slice3A_773, %slice3A_772 : vector<4x576xf32>
    %select_n3A_775 = arith.select %lt3A_774, %slice3A_773, %slice3A_772 : vector<4x576xi1>, vector<4x576xf32>
    %slice3A_776 = vector.extract_strided_slice %select_n3A_771 {offsets = [4, 0], sizes = [4, 576], strides = [1, 1]} : vector<8x576xi32> to vector<4x576xi32>
    %add3A_777 = arith.constant 4 : i32
    %add3A_778 = vector.broadcast %add3A_777 : i32 to vector<4x576xi32>
    %add3A_779 = arith.addi %slice3A_776, %add3A_778 : vector<4x576xi32>
    %slice3A_780 = vector.extract_strided_slice %select_n3A_771 {offsets = [0, 0], sizes = [4, 576], strides = [1, 1]} : vector<8x576xi32> to vector<4x576xi32>
    %select_n3A_781 = arith.select %lt3A_774, %add3A_779, %slice3A_780 : vector<4x576xi1>, vector<4x576xi32>
    %slice3A_782 = vector.extract_strided_slice %select_n3A_775 {offsets = [0, 0], sizes = [2, 576], strides = [1, 1]} : vector<4x576xf32> to vector<2x576xf32>
    %slice3A_783 = vector.extract_strided_slice %select_n3A_775 {offsets = [2, 0], sizes = [2, 576], strides = [1, 1]} : vector<4x576xf32> to vector<2x576xf32>
    %lt3A_784 = arith.cmpf olt, %slice3A_783, %slice3A_782 : vector<2x576xf32>
    %select_n3A_785 = arith.select %lt3A_784, %slice3A_783, %slice3A_782 : vector<2x576xi1>, vector<2x576xf32>
    %slice3A_786 = vector.extract_strided_slice %select_n3A_781 {offsets = [2, 0], sizes = [2, 576], strides = [1, 1]} : vector<4x576xi32> to vector<2x576xi32>
    %add3A_787 = arith.constant 2 : i32
    %add3A_788 = vector.broadcast %add3A_787 : i32 to vector<2x576xi32>
    %add3A_789 = arith.addi %slice3A_786, %add3A_788 : vector<2x576xi32>
    %slice3A_790 = vector.extract_strided_slice %select_n3A_781 {offsets = [0, 0], sizes = [2, 576], strides = [1, 1]} : vector<4x576xi32> to vector<2x576xi32>
    %select_n3A_791 = arith.select %lt3A_784, %add3A_789, %slice3A_790 : vector<2x576xi1>, vector<2x576xi32>
    %slice3A_792 = vector.extract_strided_slice %select_n3A_785 {offsets = [0, 0], sizes = [1, 576], strides = [1, 1]} : vector<2x576xf32> to vector<1x576xf32>
    %slice3A_793 = vector.extract_strided_slice %select_n3A_785 {offsets = [1, 0], sizes = [1, 576], strides = [1, 1]} : vector<2x576xf32> to vector<1x576xf32>
    %lt3A_794 = arith.cmpf olt, %slice3A_793, %slice3A_792 : vector<1x576xf32>
    %slice3A_795 = vector.extract_strided_slice %select_n3A_791 {offsets = [1, 0], sizes = [1, 576], strides = [1, 1]} : vector<2x576xi32> to vector<1x576xi32>
    %add3A_796 = arith.constant 1 : i32
    %add3A_797 = vector.broadcast %add3A_796 : i32 to vector<1x576xi32>
    %add3A_798 = arith.addi %slice3A_795, %add3A_797 : vector<1x576xi32>
    %slice3A_799 = vector.extract_strided_slice %select_n3A_791 {offsets = [0, 0], sizes = [1, 576], strides = [1, 1]} : vector<2x576xi32> to vector<1x576xi32>
    %select_n3A_800 = arith.select %lt3A_794, %add3A_798, %slice3A_799 : vector<1x576xi1>, vector<1x576xi32>
    %squeeze3A_801 = vector.shape_cast %select_n3A_800 : vector<1x576xi32> to vector<576xi32>
    %swap3A_802 = arith.constant 6 : index
    %swap3A_803 = arith.constant 0 : index
    %swap3A_804 = arith.constant 0 : index
    %swap3A_805 = vector.load %arg3[%swap3A_802, %swap3A_803, %swap3A_804] : memref<8x1x576xi32, #tpu.memory_space<vmem>>, vector<1x1x576xi32>
    %swap3A_806 = vector.shape_cast %swap3A_805 : vector<1x1x576xi32> to vector<576xi32>
    %swap3A_807 = vector.shape_cast %squeeze3A_801 : vector<576xi32> to vector<1x1x576xi32>
    tpu.vector_store %arg3[%swap3A_802, %swap3A_803, %swap3A_804], %swap3A_807 {strides = array<i32>} : memref<8x1x576xi32, #tpu.memory_space<vmem>>, vector<1x1x576xi32>,
    %get3A_808 = arith.constant 7 : index
    %get3A_809 = arith.constant 0 : index
    %get3A_810 = arith.constant 0 : index
    %get3A_811 = vector.load %arg1[%get3A_808, %get3A_809, %get3A_810] : memref<8x64x576xf32, #tpu.memory_space<vmem>>, vector<1x64x576xf32>
    %get3A_812 = vector.shape_cast %get3A_811 : vector<1x64x576xf32> to vector<64x576xf32>
    %dot_general3A_813 = arith.constant dense<0.000000e+00> : vector<1024x576xf32>
    %dot_general3A_814 = tpu.matmul %get3A_1, %get3A_812, %dot_general3A_813 {dimension_numbers = #tpu.dot_dimension_numbers<[0], [0], [1], [1], [0, 1, 1, 1], [], []>, transpose_lhs_hint = false} : vector<64x1024xf32>, vector<64x576xf32>, vector<1024x576xf32> -> vector<1024x576xf32>
    %mul3A_815 = arith.constant 2.000000e+00 : f32
    %mul3A_816 = vector.broadcast %mul3A_815 : f32 to vector<1024x576xf32>
    %mul3A_817 = arith.mulf %mul3A_816, %dot_general3A_814 : vector<1024x576xf32>
    %sub3A_818 = arith.subf %broadcast_in_dim3A_4, %mul3A_817 : vector<1024x576xf32>
    %slice3A_819 = vector.extract_strided_slice %sub3A_818 {offsets = [0, 0], sizes = [512, 576], strides = [1, 1]} : vector<1024x576xf32> to vector<512x576xf32>
    %slice3A_820 = vector.extract_strided_slice %sub3A_818 {offsets = [512, 0], sizes = [512, 576], strides = [1, 1]} : vector<1024x576xf32> to vector<512x576xf32>
    %lt3A_821 = arith.cmpf olt, %slice3A_820, %slice3A_819 : vector<512x576xf32>
    %select_n3A_822 = arith.select %lt3A_821, %slice3A_820, %slice3A_819 : vector<512x576xi1>, vector<512x576xf32>
    %jit3A_823 = arith.constant 512 : i32
    %jit3A_824 = arith.constant 0 : i32
    %broadcast_in_dim3A_825 = vector.broadcast %jit3A_823 : i32 to vector<512x576xi32>
    %broadcast_in_dim3A_826 = vector.broadcast %jit3A_824 : i32 to vector<512x576xi32>
    %select_n3A_827 = arith.select %lt3A_821, %broadcast_in_dim3A_825, %broadcast_in_dim3A_826 : vector<512x576xi1>, vector<512x576xi32>
    %slice3A_828 = vector.extract_strided_slice %select_n3A_822 {offsets = [0, 0], sizes = [256, 576], strides = [1, 1]} : vector<512x576xf32> to vector<256x576xf32>
    %slice3A_829 = vector.extract_strided_slice %select_n3A_822 {offsets = [256, 0], sizes = [256, 576], strides = [1, 1]} : vector<512x576xf32> to vector<256x576xf32>
    %lt3A_830 = arith.cmpf olt, %slice3A_829, %slice3A_828 : vector<256x576xf32>
    %select_n3A_831 = arith.select %lt3A_830, %slice3A_829, %slice3A_828 : vector<256x576xi1>, vector<256x576xf32>
    %slice3A_832 = vector.extract_strided_slice %select_n3A_827 {offsets = [256, 0], sizes = [256, 576], strides = [1, 1]} : vector<512x576xi32> to vector<256x576xi32>
    %add3A_833 = arith.constant 256 : i32
    %add3A_834 = vector.broadcast %add3A_833 : i32 to vector<256x576xi32>
    %add3A_835 = arith.addi %slice3A_832, %add3A_834 : vector<256x576xi32>
    %slice3A_836 = vector.extract_strided_slice %select_n3A_827 {offsets = [0, 0], sizes = [256, 576], strides = [1, 1]} : vector<512x576xi32> to vector<256x576xi32>
    %select_n3A_837 = arith.select %lt3A_830, %add3A_835, %slice3A_836 : vector<256x576xi1>, vector<256x576xi32>
    %slice3A_838 = vector.extract_strided_slice %select_n3A_831 {offsets = [0, 0], sizes = [128, 576], strides = [1, 1]} : vector<256x576xf32> to vector<128x576xf32>
    %slice3A_839 = vector.extract_strided_slice %select_n3A_831 {offsets = [128, 0], sizes = [128, 576], strides = [1, 1]} : vector<256x576xf32> to vector<128x576xf32>
    %lt3A_840 = arith.cmpf olt, %slice3A_839, %slice3A_838 : vector<128x576xf32>
    %select_n3A_841 = arith.select %lt3A_840, %slice3A_839, %slice3A_838 : vector<128x576xi1>, vector<128x576xf32>
    %slice3A_842 = vector.extract_strided_slice %select_n3A_837 {offsets = [128, 0], sizes = [128, 576], strides = [1, 1]} : vector<256x576xi32> to vector<128x576xi32>
    %add3A_843 = arith.constant 128 : i32
    %add3A_844 = vector.broadcast %add3A_843 : i32 to vector<128x576xi32>
    %add3A_845 = arith.addi %slice3A_842, %add3A_844 : vector<128x576xi32>
    %slice3A_846 = vector.extract_strided_slice %select_n3A_837 {offsets = [0, 0], sizes = [128, 576], strides = [1, 1]} : vector<256x576xi32> to vector<128x576xi32>
    %select_n3A_847 = arith.select %lt3A_840, %add3A_845, %slice3A_846 : vector<128x576xi1>, vector<128x576xi32>
    %slice3A_848 = vector.extract_strided_slice %select_n3A_841 {offsets = [0, 0], sizes = [64, 576], strides = [1, 1]} : vector<128x576xf32> to vector<64x576xf32>
    %slice3A_849 = vector.extract_strided_slice %select_n3A_841 {offsets = [64, 0], sizes = [64, 576], strides = [1, 1]} : vector<128x576xf32> to vector<64x576xf32>
    %lt3A_850 = arith.cmpf olt, %slice3A_849, %slice3A_848 : vector<64x576xf32>
    %select_n3A_851 = arith.select %lt3A_850, %slice3A_849, %slice3A_848 : vector<64x576xi1>, vector<64x576xf32>
    %slice3A_852 = vector.extract_strided_slice %select_n3A_847 {offsets = [64, 0], sizes = [64, 576], strides = [1, 1]} : vector<128x576xi32> to vector<64x576xi32>
    %add3A_853 = arith.constant 64 : i32
    %add3A_854 = vector.broadcast %add3A_853 : i32 to vector<64x576xi32>
    %add3A_855 = arith.addi %slice3A_852, %add3A_854 : vector<64x576xi32>
    %slice3A_856 = vector.extract_strided_slice %select_n3A_847 {offsets = [0, 0], sizes = [64, 576], strides = [1, 1]} : vector<128x576xi32> to vector<64x576xi32>
    %select_n3A_857 = arith.select %lt3A_850, %add3A_855, %slice3A_856 : vector<64x576xi1>, vector<64x576xi32>
    %slice3A_858 = vector.extract_strided_slice %select_n3A_851 {offsets = [0, 0], sizes = [32, 576], strides = [1, 1]} : vector<64x576xf32> to vector<32x576xf32>
    %slice3A_859 = vector.extract_strided_slice %select_n3A_851 {offsets = [32, 0], sizes = [32, 576], strides = [1, 1]} : vector<64x576xf32> to vector<32x576xf32>
    %lt3A_860 = arith.cmpf olt, %slice3A_859, %slice3A_858 : vector<32x576xf32>
    %select_n3A_861 = arith.select %lt3A_860, %slice3A_859, %slice3A_858 : vector<32x576xi1>, vector<32x576xf32>
    %slice3A_862 = vector.extract_strided_slice %select_n3A_857 {offsets = [32, 0], sizes = [32, 576], strides = [1, 1]} : vector<64x576xi32> to vector<32x576xi32>
    %add3A_863 = arith.constant 32 : i32
    %add3A_864 = vector.broadcast %add3A_863 : i32 to vector<32x576xi32>
    %add3A_865 = arith.addi %slice3A_862, %add3A_864 : vector<32x576xi32>
    %slice3A_866 = vector.extract_strided_slice %select_n3A_857 {offsets = [0, 0], sizes = [32, 576], strides = [1, 1]} : vector<64x576xi32> to vector<32x576xi32>
    %select_n3A_867 = arith.select %lt3A_860, %add3A_865, %slice3A_866 : vector<32x576xi1>, vector<32x576xi32>
    %slice3A_868 = vector.extract_strided_slice %select_n3A_861 {offsets = [0, 0], sizes = [16, 576], strides = [1, 1]} : vector<32x576xf32> to vector<16x576xf32>
    %slice3A_869 = vector.extract_strided_slice %select_n3A_861 {offsets = [16, 0], sizes = [16, 576], strides = [1, 1]} : vector<32x576xf32> to vector<16x576xf32>
    %lt3A_870 = arith.cmpf olt, %slice3A_869, %slice3A_868 : vector<16x576xf32>
    %select_n3A_871 = arith.select %lt3A_870, %slice3A_869, %slice3A_868 : vector<16x576xi1>, vector<16x576xf32>
    %slice3A_872 = vector.extract_strided_slice %select_n3A_867 {offsets = [16, 0], sizes = [16, 576], strides = [1, 1]} : vector<32x576xi32> to vector<16x576xi32>
    %add3A_873 = arith.constant 16 : i32
    %add3A_874 = vector.broadcast %add3A_873 : i32 to vector<16x576xi32>
    %add3A_875 = arith.addi %slice3A_872, %add3A_874 : vector<16x576xi32>
    %slice3A_876 = vector.extract_strided_slice %select_n3A_867 {offsets = [0, 0], sizes = [16, 576], strides = [1, 1]} : vector<32x576xi32> to vector<16x576xi32>
    %select_n3A_877 = arith.select %lt3A_870, %add3A_875, %slice3A_876 : vector<16x576xi1>, vector<16x576xi32>
    %slice3A_878 = vector.extract_strided_slice %select_n3A_871 {offsets = [0, 0], sizes = [8, 576], strides = [1, 1]} : vector<16x576xf32> to vector<8x576xf32>
    %slice3A_879 = vector.extract_strided_slice %select_n3A_871 {offsets = [8, 0], sizes = [8, 576], strides = [1, 1]} : vector<16x576xf32> to vector<8x576xf32>
    %lt3A_880 = arith.cmpf olt, %slice3A_879, %slice3A_878 : vector<8x576xf32>
    %select_n3A_881 = arith.select %lt3A_880, %slice3A_879, %slice3A_878 : vector<8x576xi1>, vector<8x576xf32>
    %slice3A_882 = vector.extract_strided_slice %select_n3A_877 {offsets = [8, 0], sizes = [8, 576], strides = [1, 1]} : vector<16x576xi32> to vector<8x576xi32>
    %add3A_883 = arith.constant 8 : i32
    %add3A_884 = vector.broadcast %add3A_883 : i32 to vector<8x576xi32>
    %add3A_885 = arith.addi %slice3A_882, %add3A_884 : vector<8x576xi32>
    %slice3A_886 = vector.extract_strided_slice %select_n3A_877 {offsets = [0, 0], sizes = [8, 576], strides = [1, 1]} : vector<16x576xi32> to vector<8x576xi32>
    %select_n3A_887 = arith.select %lt3A_880, %add3A_885, %slice3A_886 : vector<8x576xi1>, vector<8x576xi32>
    %slice3A_888 = vector.extract_strided_slice %select_n3A_881 {offsets = [0, 0], sizes = [4, 576], strides = [1, 1]} : vector<8x576xf32> to vector<4x576xf32>
    %slice3A_889 = vector.extract_strided_slice %select_n3A_881 {offsets = [4, 0], sizes = [4, 576], strides = [1, 1]} : vector<8x576xf32> to vector<4x576xf32>
    %lt3A_890 = arith.cmpf olt, %slice3A_889, %slice3A_888 : vector<4x576xf32>
    %select_n3A_891 = arith.select %lt3A_890, %slice3A_889, %slice3A_888 : vector<4x576xi1>, vector<4x576xf32>
    %slice3A_892 = vector.extract_strided_slice %select_n3A_887 {offsets = [4, 0], sizes = [4, 576], strides = [1, 1]} : vector<8x576xi32> to vector<4x576xi32>
    %add3A_893 = arith.constant 4 : i32
    %add3A_894 = vector.broadcast %add3A_893 : i32 to vector<4x576xi32>
    %add3A_895 = arith.addi %slice3A_892, %add3A_894 : vector<4x576xi32>
    %slice3A_896 = vector.extract_strided_slice %select_n3A_887 {offsets = [0, 0], sizes = [4, 576], strides = [1, 1]} : vector<8x576xi32> to vector<4x576xi32>
    %select_n3A_897 = arith.select %lt3A_890, %add3A_895, %slice3A_896 : vector<4x576xi1>, vector<4x576xi32>
    %slice3A_898 = vector.extract_strided_slice %select_n3A_891 {offsets = [0, 0], sizes = [2, 576], strides = [1, 1]} : vector<4x576xf32> to vector<2x576xf32>
    %slice3A_899 = vector.extract_strided_slice %select_n3A_891 {offsets = [2, 0], sizes = [2, 576], strides = [1, 1]} : vector<4x576xf32> to vector<2x576xf32>
    %lt3A_900 = arith.cmpf olt, %slice3A_899, %slice3A_898 : vector<2x576xf32>
    %select_n3A_901 = arith.select %lt3A_900, %slice3A_899, %slice3A_898 : vector<2x576xi1>, vector<2x576xf32>
    %slice3A_902 = vector.extract_strided_slice %select_n3A_897 {offsets = [2, 0], sizes = [2, 576], strides = [1, 1]} : vector<4x576xi32> to vector<2x576xi32>
    %add3A_903 = arith.constant 2 : i32
    %add3A_904 = vector.broadcast %add3A_903 : i32 to vector<2x576xi32>
    %add3A_905 = arith.addi %slice3A_902, %add3A_904 : vector<2x576xi32>
    %slice3A_906 = vector.extract_strided_slice %select_n3A_897 {offsets = [0, 0], sizes = [2, 576], strides = [1, 1]} : vector<4x576xi32> to vector<2x576xi32>
    %select_n3A_907 = arith.select %lt3A_900, %add3A_905, %slice3A_906 : vector<2x576xi1>, vector<2x576xi32>
    %slice3A_908 = vector.extract_strided_slice %select_n3A_901 {offsets = [0, 0], sizes = [1, 576], strides = [1, 1]} : vector<2x576xf32> to vector<1x576xf32>
    %slice3A_909 = vector.extract_strided_slice %select_n3A_901 {offsets = [1, 0], sizes = [1, 576], strides = [1, 1]} : vector<2x576xf32> to vector<1x576xf32>
    %lt3A_910 = arith.cmpf olt, %slice3A_909, %slice3A_908 : vector<1x576xf32>
    %slice3A_911 = vector.extract_strided_slice %select_n3A_907 {offsets = [1, 0], sizes = [1, 576], strides = [1, 1]} : vector<2x576xi32> to vector<1x576xi32>
    %add3A_912 = arith.constant 1 : i32
    %add3A_913 = vector.broadcast %add3A_912 : i32 to vector<1x576xi32>
    %add3A_914 = arith.addi %slice3A_911, %add3A_913 : vector<1x576xi32>
    %slice3A_915 = vector.extract_strided_slice %select_n3A_907 {offsets = [0, 0], sizes = [1, 576], strides = [1, 1]} : vector<2x576xi32> to vector<1x576xi32>
    %select_n3A_916 = arith.select %lt3A_910, %add3A_914, %slice3A_915 : vector<1x576xi1>, vector<1x576xi32>
    %squeeze3A_917 = vector.shape_cast %select_n3A_916 : vector<1x576xi32> to vector<576xi32>
    %swap3A_918 = arith.constant 7 : index
    %swap3A_919 = arith.constant 0 : index
    %swap3A_920 = arith.constant 0 : index
    %swap3A_921 = vector.load %arg3[%swap3A_918, %swap3A_919, %swap3A_920] : memref<8x1x576xi32, #tpu.memory_space<vmem>>, vector<1x1x576xi32>
    %swap3A_922 = vector.shape_cast %swap3A_921 : vector<1x1x576xi32> to vector<576xi32>
    %swap3A_923 = vector.shape_cast %squeeze3A_917 : vector<576xi32> to vector<1x1x576xi32>
    tpu.vector_store %arg3[%swap3A_918, %swap3A_919, %swap3A_920], %swap3A_923 {strides = array<i32>} : memref<8x1x576xi32, #tpu.memory_space<vmem>>, vector<1x1x576xi32>,
    return
  }
  func.func @transform_0(%arg0: i32) -> (i32, i32, i32) {
    %c0_i32 = arith.constant 0 : i32
    %c0_i32_0 = arith.constant 0 : i32
    %c0_i32_1 = arith.constant 0 : i32
    return %arg0, %c0_i32, %c0_i32_0 : i32, i32, i32
  }
  func.func @transform_1(%arg0: i32) -> (i32, i32) {
    %c0_i32 = arith.constant 0 : i32
    %c0_i32_0 = arith.constant 0 : i32
    %c0_i32_1 = arith.constant 0 : i32
    return %c0_i32, %c0_i32_0 : i32, i32
  }
  func.func @transform_2(%arg0: i32) -> (i32, i32, i32) {
    %c0_i32 = arith.constant 0 : i32
    %c0_i32_0 = arith.constant 0 : i32
    %c0_i32_1 = arith.constant 0 : i32
    return %arg0, %c0_i32, %c0_i32_0 : i32, i32, i32
  }
}

</mosaic_0001>

<sc_bundles>
// kernel: kernel.4.cloned.1.call-start
scs
__scs_entry_jumppad:
0x0: {  	(pc) =	sbr.rel $0x88, $3  }
0x1: {  	(tag) =	ssettag $0x0;
	lr =	simm.s32 $0x1  }
0x2: {  	[smem:$0x3F9F] =	sst lr;
	_ =	strace $0xD0000000  }
0x3: {  	_ = 	snop  }
0x4: {  	_ = 	snop  }
0x5: {  	_ = 	snop  }
0x6: {  	_ = 	snop  }
0x7: {  	_ = 	snop  }
__scs_overlays_trampoline_lowered:
0x8: {  	[smem:$0x3FAE] =	sst s0  }
0x9: {  	[smem:$0x3FAF] =	sst s1  }
0xa: {  	[smem:$0x3FB0] =	sst s2  }
0xb: {  	[smem:$0x3FB1] =	sst s3  }
0xc: {  	[smem:$0x3FB2] =	sst s4  }
0xd: {  	[smem:$0x3FB3] =	sst s5  }
0xe: {  	[smem:$0x3FB4] =	sst s6  }
0xf: {  	[smem:$0x3FB5] =	sst s7  }
0x10: {  	[smem:$0x3FB6] =	sst s8  }
0x11: {  	[smem:$0x3FB7] =	sst s9;
	s0 =	simm.s32 @!p0 $0x0  }
0x12: {  	s1 =	sld [smem:$0x3F9D];
	s0 =	simm.s32 @p0 $0x1  }
0x13: {  	[smem:$0x3FB8] =	sst s0;
	s0 =	simm.s32 @!p1 $0x0  }
0x14: {  	s2 =	sld [smem:$0x3F9C];
	s0 =	simm.s32 @p1 $0x1  }
0x15: {  	[smem:$0x3FB9] =	sst s0;
	s0 =	simm.s32 @!p2 $0x0  }
0x16: {  	s3 =	sld [smem:$0x3FDB];
	s0 =	simm.s32 @p2 $0x1  }
0x17: {  	s4 =	simm.s32 $0x1BF5;
	[smem:$0x3FBB] =	sst s0  }
0x18: {  	s0 =	sld [smem:$0x3F9E];
	_ =	swait.ge [sflag:s4], $0x0  }
0x19: {  	s7 =	sld [smem:$0x3F9F]  }
0x1a: {  	s8 =	sadd.s32 $0xFFFFE003, lr  }
0x1b: {  	s9 =	sadd.s32 $0xFFFFFEF7, lr;
	s5 =	simm.s32 $0xFFFFFFFF;
	p2 =	slt.u32 s8, $0xFFFFF086  }
0x1c: {  	p1 =	slt.u32 s9, $0xF7A;
	s5 =	simm.s32 @!p2 $0x0  }
0x1d: {  	s5 =	simm.s32 @p1 $0x1;
	p0 =	seq.s32 s7, s2  }
0x1e: {  	s7 =	smul.u32 @!p0 $0xF7A, s2;
	p2 =	seq.s32 @!p0 s5, $0x0  }
0x1f: {  	s9 =	smul.u32 $0xF7A, s1;
	s8 =	simm.s32 @!p0 $0x1BF5;
	p2 =	por !p2, p0  }
0x20: {  	[sflag:s8] =	ssyncset.s32 @!p0 $0xFFFFF086;
	s6 =	sadd.s32 @!p0 s3, s7;
	s7 =	simm.s32 @!p0 $0x108  }
0x21: {  	s3 =	sadd.s32 s3, s9;
	s6 =	sadd.s32 @!p0 $0x88, s6;
	s7 =	simm.s32 @p2 $0x1082  }
0x22: {  	[simem:s7], [sflag:s8] =	dma.local @!p0 [hbm:s6], $0xF7A  }
0x23: {  	s9 =	sor.u32 $0xD0000000, s2;
	s6 =	simm.s32 $0x108;
	_ =	swait.ge @!p0 [sflag:s8], $0x0  }
0x24: {  	s3 =	sadd.s32 $0x88, s3;
	s6 =	simm.s32 @!p1 $0x1082;
	[sflag:s4] =	ssyncset.s32 $0xFFFFF086  }
0x25: {  	[simem:s6], [sflag:s4] =	dma.local [hbm:s3], $0xF7A  }
0x26: {  	[smem:$0x3F9F] =	sst s1;
	(tag) =	ssettag s2;
	_ =	strace s9  }
0x27: {  	s1 =	sld [smem:$0x3FAF]  }
0x28: {  	s2 =	sld [smem:$0x3FB0]  }
0x29: {  	s4 =	sld [smem:$0x3FB2]  }
0x2a: {  	p0 =	seq.s32 s5, $0x0;
	s5 =	sld [smem:$0x3FB3]  }
0x2b: {  	s6 =	sld [smem:$0x3FB4]  }
0x2c: {  	s7 =	sld [smem:$0x3FB5]  }
0x2d: {  	s3 =	simm.s32 $0x108;
	s8 =	sld [smem:$0x3FB6]  }
0x2e: {  	s3 =	simm.s32 @!p0 $0x1082;
	s9 =	sld [smem:$0x3FB7]  }
0x2f: {  	lr =	sadd.s32 s0, s3;
	s0 =	sld [smem:$0x3FAE]  }
0x30: {  	s3 =	sld [smem:$0x3FB1]  }
0x31: {  	[smem:$0x3FBA] =	sst s10  }
0x32: {  	s10 =	sld [smem:$0x3FB8];
	_ =	sdelay $0x3  }
0x33: {  	p0 =	seq.s32 s10, $0x1;
	s10 =	sld [smem:$0x3FBA];
	_ =	sdelay $0x3  }
0x34: {  	[smem:$0x3FBA] =	sst s10  }
0x35: {  	s10 =	sld [smem:$0x3FB9];
	_ =	sdelay $0x3  }
0x36: {  	p1 =	seq.s32 s10, $0x1;
	s10 =	sld [smem:$0x3FBA];
	_ =	sdelay $0x3  }
0x37: {  	[smem:$0x3FBA] =	sst s10  }
0x38: {  	s10 =	sld [smem:$0x3FBB]  }
0x39: {  	_ = 	snop;
	(pc) =	sbr.ind lr, $3  }
0x3a: {  	_ = 	snop  }
0x3b: {  	_ = 	snop  }
0x3c: {  	p2 =	seq.s32 s10, $0x1;
	s10 =	sld [smem:$0x3FBA]  }
0x3d: {  	_ =	shalt  }
0x3e: {  	_ =	shalt  }
0x3f: {  	_ =	shalt  }
0x40: {  	_ =	shalt  }
0x41: {  	_ =	shalt  }
0x42: {  	_ =	shalt  }
0x43: {  	_ =	shalt  }
0x44: {  	_ =	shalt  }
0x45: {  	_ =	shalt  }
0x46: {  	_ =	shalt  }
0x47: {  	_ =	shalt  }
0x48: {  	_ =	shalt  }
0x49: {  	_ =	shalt  }
0x4a: {  	_ =	shalt  }
0x4b: {  	_ =	shalt  }
0x4c: {  	_ =	shalt  }
0x4d: {  	_ =	shalt  }
0x4e: {  	_ =	shalt  }
0x4f: {  	_ =	shalt  }
0x50: {  	_ =	shalt  }
0x51: {  	_ =	shalt  }
0x52: {  	_ =	shalt  }
0x53: {  	_ =	shalt  }
0x54: {  	_ =	shalt  }
0x55: {  	_ =	shalt  }
0x56: {  	_ =	shalt  }
0x57: {  	_ =	shalt  }
0x58: {  	_ =	shalt  }
0x59: {  	_ =	shalt  }
0x5a: {  	_ =	shalt  }
0x5b: {  	_ =	shalt  }
0x5c: {  	_ =	shalt  }
0x5d: {  	_ =	shalt  }
0x5e: {  	_ =	shalt  }
0x5f: {  	_ =	shalt  }
0x60: {  	_ =	shalt  }
0x61: {  	_ =	shalt  }
0x62: {  	_ =	shalt  }
0x63: {  	_ =	shalt  }
0x64: {  	_ =	shalt  }
0x65: {  	_ =	shalt  }
0x66: {  	_ =	shalt  }
0x67: {  	_ =	shalt  }
0x68: {  	_ =	shalt  }
0x69: {  	_ =	shalt  }
0x6a: {  	_ =	shalt  }
0x6b: {  	_ =	shalt  }
0x6c: {  	_ =	shalt  }
0x6d: {  	_ =	shalt  }
0x6e: {  	_ =	shalt  }
0x6f: {  	_ =	shalt  }
0x70: {  	_ =	shalt  }
0x71: {  	_ =	shalt  }
0x72: {  	_ =	shalt  }
0x73: {  	_ =	shalt  }
0x74: {  	_ =	shalt  }
0x75: {  	_ =	shalt  }
0x76: {  	_ =	shalt  }
0x77: {  	_ =	shalt  }
0x78: {  	_ =	shalt  }
0x79: {  	_ =	shalt  }
0x7a: {  	_ =	shalt  }
0x7b: {  	_ =	shalt  }
0x7c: {  	_ =	shalt  }
0x7d: {  	_ =	shalt  }
0x7e: {  	_ =	shalt  }
0x7f: {  	_ =	shalt  }
0x80: {  	_ =	shalt  }
0x81: {  	_ =	shalt  }
0x82: {  	_ =	shalt  }
0x83: {  	_ =	shalt  }
0x84: {  	_ =	shalt  }
0x85: {  	_ =	shalt  }
0x86: {  	_ =	shalt  }
0x87: {  	_ =	shalt  }
.Lfunc_end0:
.L_simem_size_0:
called_computation_lowered:
.L_overlay_start_0:
0x88: {  	s2 =	sld [smem:$0x3FD9]  }
0x89: {  	s3 =	sld [smem:$0x3FFE];
	_ =	sdelay $0x1  }
0x8a: {  	s1 =	srdreg.scid  }
0x8b: {  	s0 =	sand.u32 $0x1, s1  }
0x8c: {  	s14 =	sshll.u32 s0, $0xA;
	s2 =	sadd.s32 s3, s2  }
0x8d: {  	s2 =	sadd.s32 s2, s14  }
0x8e: {  	[smem:$0x3FC6] =	sst s2  }
0x8f: {  	_ = 	snop  }
0x90: {  	s2 =	sld [smem:$0x3FD0];
	_ =	sdelay $0x2  }
0x91: {  	s15 =	simm.s32 $0xA;
	s4 =	simm.s32 $0x10  }
0x92: {  	[smem:s4], [sflag:s15] =	dma.local [hbm:s2], $0x1  }
0x93: {  	_ =	swait.eq [sflag:s15], $0x1  }
0x94: {  	[sflag:s15] =	ssyncset.done $0x0  }
0x95: {  	[sflag:s15] =	ssyncadd.s32 $0xFFFFFFFF  }
0x96: {  	s16 =	sld [smem:$0x10];
	(tm) =	ssettm $0x1  }
0x97: {  	s17 =	sld [smem:$0x3FFB];
	_ =	sdelay $0x3  }
0x98: {  	_ =	strace s17  }
0x99: {  	s3 =	sld [smem:$0x3FFC];
	_ =	sdelay $0x3  }
0x9a: {  	_ =	strace s3  }
0x9b: {  	s3 =	sld [smem:$0x3FFD];
	_ =	sdelay $0x3  }
0x9c: {  	_ =	strace s3  }
0x9d: {  	_ =	strace $0x8FFFFFFF  }
0x9e: {  	s18 =	sld [smem:$0x3FDB];
	_ =	sdelay $0x1  }
0x9f: {  	s19 =	simm.s32 $_scs_section_size  }
0xa0: {  	s5 =	simm.s32 $_size__tile_overlayer_lowered;
	s6 =	simm.s32 $_tile_overlayer_lowered  }
0xa1: {  	s22 =	simm.s32 $0x1BFF;
	s21 =	sshll.u32 s6, $0x1;
	s3 =	sadd.s32 s19, s18  }
0xa2: {  	s7 =	simm.s32 $0x0;
	s20 =	sshll.u32 s5, $0x1;
	s5 =	sadd.s32 s21, s3  }
0xa3: {  	[timem:s7], [sflag:s22] =	dma.local [hbm:s5], s20  }
0xa4: {  	_ =	swait.ge [sflag:s22], s20  }
0xa5: {  	s4 =	ssub.s32 $0x0, s20;
	[sflag:s22] =	ssyncset.done $0x0  }
0xa6: {  	[sflag:s22] =	ssyncadd.s32 s4;
	_ =	sdelay $0x1  }
0xa7: {  	s23 =	simm.s32 $0x1B8B  }
0xa8: {  	_ =	swait.ge [sflag:s23], $0x1  }
0xa9: {  	[sflag:s23] =	ssyncset.done $0x0  }
0xaa: {  	s25 =	simm.s32 $0x1B8E;
	s24 =	sld [smem:$0x3FFE];
	[sflag:s23] =	ssyncadd.s32 $0xFFFFFFFF  }
0xab: {  	s26 =	simm.s32 $execute0_lowered;
	[smem:$0x3FD2] =	sst s25  }
0xac: {  	s5 =	sshll.u32 s26, $0x1;
	_ =	strace $0x80000046;
	[dreg:$0x1] =	wrdreg $0xFFFFFFFF  }
0xad: {  	s28 =	simm.s32 $_size_execute0_lowered;
	s3 =	sadd.s32 s3, s5;
	[dreg:$0x0] =	wrdreg $0x0  }
0xae: {  	s5 =	sshll.u32 s28, $0x1;
	[dreg:$0x2] =	wrdreg s3  }
0xaf: {  	[dreg:$0x3] =	wrdreg s5  }
0xb0: {  	[dreg:$0x4] =	wrdreg $0xC0  }
0xb1: {  	_ =	task [dreg:s7], $0x5FFFF  }
0xb2: {  	[dreg:$0x1] =	wrdreg $0xFFFFFFFF  }
0xb3: {  	[dreg:$0x0] =	wrdreg $0x60  }
0xb4: {  	[dreg:$0x2] =	wrdreg s24  }
0xb5: {  	[dreg:$0x3] =	wrdreg s16  }
0xb6: {  	[dreg:$0x4] =	wrdreg $0x9  }
0xb7: {  	_ =	task.clear_ibuf [dreg:s7], $0x5FFFF;
	_ =	strace $0x90000046  }
0xb8: {  	s29 =	simm.s32 $0x9;
	_ =	strace $0x80000048  }
0xb9: {  	_ =	swait.ge [sflag:s29], $0x1  }
0xba: {  	[sflag:s29] =	ssyncadd.s32 $0xFFFFFFFF  }
0xbb: {  	_ =	strace $0x90000048  }
0xbc: {  	_ =	sfence  }
0xbd: {  	s30 =	sld [smem:$0x0];
	_ =	sdelay $0x2  }
0xbe: {  	s31 =	sshll.u32 s1, $0xD;
	s1 =	sshrl.u32 s1, $0x2  }
0xbf: {  	s3 =	sand.u32 $0x4000, s31;
	s1 =	sadd.s32 s1, s30  }
0xc0: {  	s0 =	sor.u32 s3, s0;
	s1 =	sshll.u32 s1, $0x11  }
0xc1: {  	s0 =	sor.u32 s1, s0  }
0xc2: {  	s0 =	sadd.s32 $0x8F2B, s0  }
0xc3: {  	[sflag:s0] =	ssyncadd.remote.s32 $0x1  }
0xc4: {  	_ =	sfence.sel $0xFFFF  }
0xc5: {  	[dreg:$0x0] =	wrdreg $0xFFFFFFFF;
	(pc) =	sbr.abs _section_cstart, $3  }
0xc6: {  	[dreg:$0x1] =	wrdreg $0xFFFFFFFF  }
0xc7: {  	_ =	task.clear_ibuf [dreg:s7], $0x2FFFF;
	_ =	strace $0x9FFFFFFF  }
0xc8: {  	(tm) =	ssettm $0x7FFFFFFF  }
0xc9: {  	_ =	shalt  }
tec
execute0_lowered:
.L_overlay_start_1:
0x0: {  	(tag) =	ssettag $0x1  }
0x1: {  	s1 =	srdreg.scid;
	s0 =	stileid.u32  }
0x2: {  	s6 =	sand.u32 $0x1, s1;
	s30 =	sshll.u32 s0, $0x1  }
0x3: {  	s5 =	rddreg [dreg:$0x0];
	s9 =	sor.u32 s6, s30  }
0x4: {  	s10 =	rddreg [dreg:$0x1];
	s2 =	simm.s32 $0x0;
	s3 =	smul.u32 $0x24, s9  }
0x5: {  	s7 =	simm.s32 $0x180;
	[smem:$0x7FF] =	sst s2  }
0x6: {  	s1 =	rddreg [dreg:$0x2];
	_ =	strace $0x80000047;
	s3 =	sadd.s32 s3, s5  }
0x7: {  	s11 =	ssub.s32 $0x2, s6;
	s4 =	sadd.s32 $0x200, s3;
	s3 =	simm.s32 $0x2  }
0x8: {  	[tilespmem:s2], [sflag:$0x2] =	stream.linear.gather [hbm4b:s4+s2], $0x120, $0x38;
	[tilespmem:$0x9180] =	vst v63  }
0x9: {  	s8 =	simm.s32 $0x1;
	s12 =	sshrl.u32 s11, $0x1;
	_ =	swait.ge [sflag:s3], $0x120  }
0xa: {  	s6 =	simm.s32 $0x120;
	s11 =	ssub.s32 s11, s12;
	[sflag:s3] =	ssyncset.done $0x0  }
0xb: {  	s5 =	sadd.s32 $0x800, s5;
	s31 =	smax.u32 s11, $0x1;
	[sflag:s3] =	ssyncadd.s32 $0xFFFFFEE0  }
0xc: {  	[tilespmem:s7], [sflag:$0x1] =	stream.indirect.gather [hbm4b:s5+s6], $0x80, s2, s6, $0xb8;
	[tilespmem:$0x9180] =	vst v63  }
0xd: {  	s9 =	smul.u32 $0x1200, s9;
	p0 =	sne.s32 s31, $0x1;
	_ =	swait.ge [sflag:s8], $0x9000  }
.Ltmp0:
0xe: {  	[sflag:s8] =	ssyncset.done $0x0;
	(pc) =	sbr.rel @!p0 .LBB2_2-.Ltmp0, $4  }
0xf: {  	s9 =	sadd.s32 s10, s9;
	[sflag:s8] =	ssyncadd.s32 $0xFFFF7000  }
0x10: {  	[hbm4b:s9+s2] =	stream.linear.scatter [tilespmem:s7], [sflag:$0x2], $0x9000, $0x38;
	[tilespmem:$0x9180] =	vst v63  }
0x11: {  	_ =	swait.ge [sflag:s3], $0x9000  }
0x12: {  	s10 =	sadd.s32 $0xFFFFFFFF, s31;
	[sflag:s3] =	ssyncset.done $0x0  }
.LBB2_1:
0x13: {  	p0 =	sne.s32 s10, $0x1;
	s10 =	sadd.s32 $0xFFFFFFFF, s10;
	[sflag:s3] =	ssyncadd.s32 $0xFFFF7000  }
0x14: {  	[tilespmem:s2], [sflag:$0x2] =	stream.linear.gather [hbm4b:s4+s2], $0x120, $0x38;
	[tilespmem:$0x9180] =	vst v63  }
0x15: {  	_ =	swait.ge [sflag:s3], $0x120  }
0x16: {  	[sflag:s3] =	ssyncset.done $0x0  }
0x17: {  	[sflag:s3] =	ssyncadd.s32 $0xFFFFFEE0  }
0x18: {  	[tilespmem:s7], [sflag:$0x1] =	stream.indirect.gather [hbm4b:s5+s6], $0x80, s2, s6, $0xb8;
	[tilespmem:$0x9180] =	vst v63  }
0x19: {  	_ =	swait.ge [sflag:s8], $0x9000  }
.Ltmp1:
0x1a: {  	[sflag:s8] =	ssyncset.done $0x0;
	(pc) =	sbr.rel @p0 .LBB2_1-.Ltmp1, $4  }
0x1b: {  	[sflag:s8] =	ssyncadd.s32 $0xFFFF7000  }
0x1c: {  	[hbm4b:s9+s2] =	stream.linear.scatter [tilespmem:s7], [sflag:$0x2], $0x9000, $0x38;
	[tilespmem:$0x9180] =	vst v63  }
0x1d: {  	_ =	swait.ge [sflag:s3], $0x9000  }
0x1e: {  	[sflag:s3] =	ssyncset.done $0x0  }
.LBB2_2:
0x1f: {  	[sflag:s3] =	ssyncadd.s32 $0xFFFF7000  }
0x20: {  	_ =	sfence.sel $0x180000  }
0x21: {  	[bflag:$0x0] =	sbarrier.arrive $0xFFFF  }
0x22: {  	p0 =	sne.s32 s0, $0x0;
	_ =	strace $0x90000047  }
0x23: {  	s0 =	sadd.s32 @!p0 $0x100000, s1;
	[bflag:$0x2] =	sbarrier.arrive $0xFFFF  }
0x24: {  	[sflag:s0] =	ssyncadd.tile.s32 @!p0 $0x1;
	_ =	shalt  }
.Lfunc_end2:
_tile_overlayer_lowered:
.L_overlay_start_2:
0x25: {  	(tag) =	ssettag $0x2  }
0x26: {  	s0 =	rddreg [dreg:$0x0];
	s2 =	stileid.u32  }
0x27: {  	s1 =	rddreg [dreg:$0x1];
	p0 =	sne.s32 s2, $0x0  }
0x28: {  	s3 =	rddreg [dreg:$0x2];
	[bflag:$0x3] =	sbarrier.arrive $0xFFFF;
	s2 =	simm.s32 @!p0 $0x1C02  }
0x29: {  	[timem:s3], [sflag:s2] =	dma.local @!p0 [hbm:s0], s1  }
0x2a: {  	s0 =	simm.s32 @!p0 $0x2  }
0x2b: {  	_ =	swait.ge @!p0 [sflag:s0], s1  }
0x2c: {  	s1 =	ssub.s32 @!p0 $0x0, s1;
	[sflag:s0] =	ssyncset.done @!p0 $0x0  }
0x2d: {  	[sflag:s0] =	ssyncadd.s32 @!p0 s1  }
0x2e: {  	[bflag:$0x3] =	sbarrier.arrive $0xFFFF  }
0x2f: {  	_ =	shalt  }

</sc_bundles>
